<compile_context>
chip_gen: v7x
topology: tpu7x:2x2x1
jax: 0.10.2.dev20260603
libtpu: 0.0.44.dev20260713+nightly
codegen_flags: <defaults>
</compile_context>

<pallas_src>
import functools

import jax
import jax.numpy as jnp
from jax import lax
from jax.experimental import pallas as pl
from jax.experimental.pallas import tpu as pltpu
from jax.experimental.pallas import tpu_sc as plsc

B = 4096
NT = 26
V = 100000
D = 32
NF = NT + 1
R = B * NT
NW = 32
RPW = R // NW
CH = 128
NCH = RPW // CH
BBLK = 512
GRID = B // BBLK


RPW2 = (NT * D) // NW
NV16 = B // 16
VB = (V // CH) * CH
VT = V - VB


def _sc_scan_gather(tables_dmaj, catT, tails):
    mesh = plsc.VectorSubcoreMesh(core_axis_name="c", subcore_axis_name="s")

    @functools.partial(
        pl.kernel,
        out_type=jax.ShapeDtypeStruct((NT * D, B), jnp.float32),
        mesh=mesh,
        scratch_types=[
            pltpu.VMEM((B,), jnp.int32),
            pltpu.VMEM((V,), jnp.float32),
            pltpu.VMEM((B,), jnp.float32),
            pltpu.VMEM((8 * CH,), jnp.float32),
            pltpu.SemaphoreType.DMA,
        ],
    )
    def k(tab_hbm, idx_hbm, tails_hbm, out_hbm, idx_v, row_v, out_v, tail_v, sem):
        wid = lax.axis_index("s") * 2 + lax.axis_index("c")
        pltpu.sync_copy(tails_hbm.at[wid], tail_v)

        def body(kk, carry):
            t = kk
            d = wid
            r = t * D + d
            pltpu.sync_copy(idx_hbm.at[t], idx_v)
            pltpu.sync_copy(tab_hbm.at[t, d], row_v)
            toff = t * VT - VB

            @functools.partial(plsc.parallel_loop, 0, NV16, unroll=8)
            def _(m):
                iv = idx_v[pl.ds(m * 16, 16)]
                main = plsc.load_gather(row_v, [jnp.minimum(iv, VB - 1)])
                tpos = jnp.clip(iv + toff, 0, NT * VT - 1)
                tvals = plsc.load_gather(tail_v, [tpos])
                out_v[pl.ds(m * 16, 16)] = jnp.where(iv >= VB, tvals, main)

            pltpu.sync_copy(out_v, out_hbm.at[r])
            return carry

        lax.fori_loop(0, RPW2, body, 0)

    return k(tables_dmaj, catT, tails)


def _relu(x):
    return jnp.maximum(x, 0.0)


def _dot(a, b):
    return jnp.dot(a, b, preferred_element_type=jnp.float32)


def _tc_body(numT, embT, wb0, b0, wb1, b1, wb2, b2,
             wt0, c0, wt1, c1, wt2, c2, wt3, c3, wt4, c4, out):
    x = _relu(_dot(wb0[...], numT[...]) + b0[...])
    x = _relu(_dot(wb1[...], x) + b1[...])
    x = _relu(_dot(wb2[...], x) + b2[...])

    e = embT[...]
    feats = [x] + [e[i * D:(i + 1) * D] for i in range(NT)]
    rows = []
    for i in range(1, NF):
        fi = feats[i]
        for j in range(i):
            rows.append(jnp.sum(fi * feats[j], axis=0, keepdims=True))
    zT = jnp.concatenate([x] + rows, axis=0)

    h = _relu(_dot(wt0[...], zT) + c0[...])
    h = _relu(_dot(wt1[...], h) + c1[...])
    h = _relu(_dot(wt2[...], h) + c2[...])
    h = _relu(_dot(wt3[...], h) + c3[...])
    out[...] = _dot(wt4[...], h) + c4[...]


def _full(shape):
    return pl.BlockSpec(shape, lambda g: (0, 0))


def _tc_forward(numT, embT, args):
    in_specs = [
        pl.BlockSpec((13, BBLK), lambda g: (0, g)),
        pl.BlockSpec((NT * D, BBLK), lambda g: (0, g)),
    ]
    for a in args:
        in_specs.append(_full(a.shape))
    return pl.pallas_call(
        _tc_body,
        grid=(GRID,),
        in_specs=in_specs,
        out_specs=pl.BlockSpec((1, BBLK), lambda g: (0, g)),
        out_shape=jax.ShapeDtypeStruct((1, B), jnp.float32),
    )(numT, embT, *args)


def kernel(numerical_features, categorical_features, embedding_tables,
           Wb0, bb0, Wb1, bb1, Wb2, bb2,
           Wt0, bt0, Wt1, bt1, Wt2, bt2, Wt3, bt3, Wt4, bt4):
    tables_dmaj = embedding_tables.transpose(0, 2, 1)
    catT = categorical_features.T
    tails = jnp.pad(
        embedding_tables[:, VB:, :].transpose(2, 0, 1).reshape(D, NT * VT),
        ((0, 0), (0, 8 * CH - NT * VT)),
    )
    embT = _sc_scan_gather(tables_dmaj, catT, tails)
    numT = numerical_features.T
    args = [
        Wb0.T, bb0[:, None], Wb1.T, bb1[:, None], Wb2.T, bb2[:, None],
        Wt0.T, bt0[:, None], Wt1.T, bt1[:, None], Wt2.T, bt2[:, None],
        Wt3.T, bt3[:, None], Wt4.T, bt4[:, None],
    ]
    outT = _tc_forward(numT, embT, args)
    return outT.reshape(B, 1)

# --- scband reference (transcript-rebuilt; emitter-appended) ---
"""Pipeline reference for scband-dlrm-6691559047224 (READ-ONLY COPY).

The authoritative reference and input builder live on the scoring server;
editing this copy changes nothing except your own understanding.
"""

import jax, jax.numpy as jnp
import numpy as np

B = 4096
NUM_TABLES = 26
VOCAB = 100000
DIM = 32
NUM_NUM = 13
BOT_DIMS = [512, 256, 32]
TOP_DIMS = [1024, 1024, 512, 256, 1]
N_INT = (NUM_TABLES + 1) * NUM_TABLES // 2
TOP_IN = N_INT + DIM


def _glorot(key, shape):
    fan_in, fan_out = shape
    std = float(np.sqrt(2.0 / (fan_in + fan_out)))
    return jax.random.normal(key, shape, dtype=jnp.float32) * std


def setup_inputs(seed: int = 0) -> dict:
    key = jax.random.key(seed)
    ks = jax.random.split(key, 32)
    inp = {}
    inp["numerical_features"] = jax.random.normal(ks[0], (B, NUM_NUM), dtype=jnp.float32)
    inp["categorical_features"] = jax.random.randint(ks[1], (B, NUM_TABLES), 0, VOCAB, dtype=jnp.int32)
    inp["embedding_tables"] = jax.random.normal(ks[2], (NUM_TABLES, VOCAB, DIM), dtype=jnp.float32) * 0.01
    dims = [NUM_NUM] + BOT_DIMS
    k = 3
    for i in range(len(BOT_DIMS)):
        inp[f"Wb{i}"] = _glorot(ks[k], (dims[i], dims[i + 1])); k += 1
        inp[f"bb{i}"] = jax.random.normal(ks[k], (dims[i + 1],), dtype=jnp.float32) * float(np.sqrt(1.0 / dims[i + 1])); k += 1
    tdims = [TOP_IN] + TOP_DIMS
    for i in range(len(TOP_DIMS)):
        inp[f"Wt{i}"] = _glorot(ks[k], (tdims[i], tdims[i + 1])); k += 1
        inp[f"bt{i}"] = jax.random.normal(ks[k], (tdims[i + 1],), dtype=jnp.float32) * float(np.sqrt(1.0 / tdims[i + 1])); k += 1
    return inp


def reference(numerical_features, categorical_features, embedding_tables,
              Wb0, bb0, Wb1, bb1, Wb2, bb2,
              Wt0, bt0, Wt1, bt1, Wt2, bt2, Wt3, bt3, Wt4, bt4):
    # Bottom MLP over dense/numerical features (all relu, per original code)
    x = numerical_features
    for W, b in ((Wb0, bb0), (Wb1, bb1), (Wb2, bb2)):
        x = jax.nn.relu(x @ W + b)
    # Embedding lookups: one table per sparse field
    emb = jax.vmap(lambda t, idx: jnp.take(t, idx, axis=0), in_axes=(0, 1), out_axes=1)(
        embedding_tables, categorical_features)  # [B, NUM_TABLES, DIM]
    # Dot interaction: bottom-MLP output is treated as an extra feature
    feats = jnp.concatenate([x[:, None, :], emb], axis=1)  # [B, 27, DIM]
    xact = jnp.einsum('bnd,bmd->bnm', feats, feats)  # [B, 27, 27]
    li, lj = np.tril_indices(NUM_TABLES + 1, k=-1)
    flat = xact[:, li, lj]  # [B, 351]
    z = jnp.concatenate([x, flat], axis=1)  # [B, 383]
    # Top MLP: relu on all but last (linear) layer, producing CTR logit
    top = ((Wt0, bt0), (Wt1, bt1), (Wt2, bt2), (Wt3, bt3), (Wt4, bt4))
    for i, (W, b) in enumerate(top):
        z = z @ W + b
        if i < len(top) - 1:
            z = jax.nn.relu(z)
    return z

if __name__ == "__main__":
    import jax
    _d = setup_inputs()
    print(jax.jit(kernel)(*tuple(_d.values())))

</pallas_src>

<mosaic_0001>
#map = affine_map<(d0, d1) -> (0, 0, 0)>
#map1 = affine_map<(d0, d1) -> (0, 0)>
module attributes {stable_mosaic.version = 14 : i64} {
  func.func @k(%arg0: i32, %arg1: i32, %arg2: memref<26x32x100000xf32, #tpu.memory_space<hbm>>, %arg3: memref<26x4096xi32, #tpu.memory_space<hbm>>, %arg4: memref<32x1024xf32, #tpu.memory_space<hbm>>, %arg5: memref<832x4096xf32, #tpu.memory_space<hbm>>, %arg6: memref<4096xi32, #tpu.memory_space<vmem>>, %arg7: memref<100000xf32, #tpu.memory_space<vmem>>, %arg8: memref<4096xf32, #tpu.memory_space<vmem>>, %arg9: memref<1024xf32, #tpu.memory_space<vmem>>, %arg10: memref<!tpu.dma_semaphore, #tpu.memory_space<semaphore_mem>>) attributes {dimension_semantics = [#tpu.dimension_semantics<core_parallel>, #tpu.dimension_semantics<subcore_parallel>], iteration_bounds = array<i64: 2, 16>, scalar_prefetch = 0 : i64, scratch_operands = 5 : i64, tpu.core_type = #tpu.core_type<sc_vector_subcore>, window_params = [{transform_indices = #map}, {transform_indices = #map1}, {transform_indices = #map1}, {transform_indices = #map1}]} {
    %mul3A = arith.constant 2 : i32
    %mul3A_0 = arith.muli %arg1, %mul3A : i32
    %add3A = arith.addi %mul3A_0, %arg0 : i32
    "tpu.region"() ({
      %run_scoped3A = tpu.sem_alloc : memref<!tpu.dma_semaphore, #tpu.memory_space<semaphore_mem>>
      %dma_start3A = arith.constant 0 : i32
      %dma_start3A_6 = tpu.memref_slice %arg4[%add3A, %dma_start3A] : memref<32x1024xf32, #tpu.memory_space<hbm>> -> memref<1x1024xf32, #tpu.memory_space<hbm>>
      %dma_start3A_7 = tpu.memref_squeeze %dma_start3A_6 : memref<1x1024xf32, #tpu.memory_space<hbm>> -> memref<1024xf32, #tpu.memory_space<hbm>>
      %dma_start3A_8 = arith.constant 0 : i32
      %dma_start3A_9 = tpu.memref_slice %arg4[%add3A, %dma_start3A_8] : memref<32x1024xf32, #tpu.memory_space<hbm>> -> memref<1x1024xf32, #tpu.memory_space<hbm>>
      %dma_start3A_10 = tpu.memref_squeeze %dma_start3A_9 : memref<1x1024xf32, #tpu.memory_space<hbm>> -> memref<1024xf32, #tpu.memory_space<hbm>>
      tpu.enqueue_dma source(%dma_start3A_10 : memref<1024xf32, #tpu.memory_space<hbm>>) target(%arg9 : memref<1024xf32, #tpu.memory_space<vmem>>) target_semaphore(%run_scoped3A : memref<!tpu.dma_semaphore, #tpu.memory_space<semaphore_mem>>)
      %dma_wait3A = arith.constant 0 : i32
      %dma_wait3A_11 = tpu.memref_slice %arg4[%add3A, %dma_wait3A] : memref<32x1024xf32, #tpu.memory_space<hbm>> -> memref<1x1024xf32, #tpu.memory_space<hbm>>
      %dma_wait3A_12 = tpu.memref_squeeze %dma_wait3A_11 : memref<1x1024xf32, #tpu.memory_space<hbm>> -> memref<1024xf32, #tpu.memory_space<hbm>>
      %dma_wait3A_13 = arith.constant 0 : i32
      %dma_wait3A_14 = tpu.memref_slice %arg4[%add3A, %dma_wait3A_13] : memref<32x1024xf32, #tpu.memory_space<hbm>> -> memref<1x1024xf32, #tpu.memory_space<hbm>>
      %dma_wait3A_15 = tpu.memref_squeeze %dma_wait3A_14 : memref<1x1024xf32, #tpu.memory_space<hbm>> -> memref<1024xf32, #tpu.memory_space<hbm>>
      tpu.wait_dma2 semaphore(%run_scoped3A : memref<!tpu.dma_semaphore, #tpu.memory_space<semaphore_mem>>) src(%dma_wait3A_15 : memref<1024xf32, #tpu.memory_space<hbm>>) dst(%arg9 : memref<1024xf32, #tpu.memory_space<vmem>>)
      tpu.yield
    }) : () -> ()
    %scan3A = arith.constant 0 : i32
    %scan3A_1 = arith.constant 0 : i32
    %scan3A_2 = arith.constant 26 : i32
    %scan3A_3 = arith.addi %scan3A_1, %scan3A_2 : i32
    %scan3A_4 = arith.constant 1 : i32
    scf.for %scan3A_6 = %scan3A_1 to %scan3A_3 step %scan3A_4  : i32 {
      %mul3A_7 = arith.constant 32 : i32
      %mul3A_8 = arith.muli %scan3A_6, %mul3A_7 : i32
      %add3A_9 = arith.addi %mul3A_8, %add3A : i32
      "tpu.region"() ({
        %run_scoped3A = tpu.sem_alloc : memref<!tpu.dma_semaphore, #tpu.memory_space<semaphore_mem>>
        %dma_start3A = arith.constant 0 : i32
        %dma_start3A_13 = tpu.memref_slice %arg3[%scan3A_6, %dma_start3A] : memref<26x4096xi32, #tpu.memory_space<hbm>> -> memref<1x4096xi32, #tpu.memory_space<hbm>>
        %dma_start3A_14 = tpu.memref_squeeze %dma_start3A_13 : memref<1x4096xi32, #tpu.memory_space<hbm>> -> memref<4096xi32, #tpu.memory_space<hbm>>
        %dma_start3A_15 = arith.constant 0 : i32
        %dma_start3A_16 = tpu.memref_slice %arg3[%scan3A_6, %dma_start3A_15] : memref<26x4096xi32, #tpu.memory_space<hbm>> -> memref<1x4096xi32, #tpu.memory_space<hbm>>
        %dma_start3A_17 = tpu.memref_squeeze %dma_start3A_16 : memref<1x4096xi32, #tpu.memory_space<hbm>> -> memref<4096xi32, #tpu.memory_space<hbm>>
        tpu.enqueue_dma source(%dma_start3A_17 : memref<4096xi32, #tpu.memory_space<hbm>>) target(%arg6 : memref<4096xi32, #tpu.memory_space<vmem>>) target_semaphore(%run_scoped3A : memref<!tpu.dma_semaphore, #tpu.memory_space<semaphore_mem>>)
        %dma_wait3A = arith.constant 0 : i32
        %dma_wait3A_18 = tpu.memref_slice %arg3[%scan3A_6, %dma_wait3A] : memref<26x4096xi32, #tpu.memory_space<hbm>> -> memref<1x4096xi32, #tpu.memory_space<hbm>>
        %dma_wait3A_19 = tpu.memref_squeeze %dma_wait3A_18 : memref<1x4096xi32, #tpu.memory_space<hbm>> -> memref<4096xi32, #tpu.memory_space<hbm>>
        %dma_wait3A_20 = arith.constant 0 : i32
        %dma_wait3A_21 = tpu.memref_slice %arg3[%scan3A_6, %dma_wait3A_20] : memref<26x4096xi32, #tpu.memory_space<hbm>> -> memref<1x4096xi32, #tpu.memory_space<hbm>>
        %dma_wait3A_22 = tpu.memref_squeeze %dma_wait3A_21 : memref<1x4096xi32, #tpu.memory_space<hbm>> -> memref<4096xi32, #tpu.memory_space<hbm>>
        tpu.wait_dma2 semaphore(%run_scoped3A : memref<!tpu.dma_semaphore, #tpu.memory_space<semaphore_mem>>) src(%dma_wait3A_22 : memref<4096xi32, #tpu.memory_space<hbm>>) dst(%arg6 : memref<4096xi32, #tpu.memory_space<vmem>>)
        tpu.yield
      }) : () -> ()
      "tpu.region"() ({
        %run_scoped3A = tpu.sem_alloc : memref<!tpu.dma_semaphore, #tpu.memory_space<semaphore_mem>>
        %dma_start3A = arith.constant 0 : i32
        %dma_start3A_13 = tpu.memref_slice %arg2[%scan3A_6, %add3A, %dma_start3A] : memref<26x32x100000xf32, #tpu.memory_space<hbm>> -> memref<1x1x100000xf32, #tpu.memory_space<hbm>>
        %dma_start3A_14 = tpu.memref_squeeze %dma_start3A_13 : memref<1x1x100000xf32, #tpu.memory_space<hbm>> -> memref<100000xf32, #tpu.memory_space<hbm>>
        %dma_start3A_15 = arith.constant 0 : i32
        %dma_start3A_16 = tpu.memref_slice %arg2[%scan3A_6, %add3A, %dma_start3A_15] : memref<26x32x100000xf32, #tpu.memory_space<hbm>> -> memref<1x1x100000xf32, #tpu.memory_space<hbm>>
        %dma_start3A_17 = tpu.memref_squeeze %dma_start3A_16 : memref<1x1x100000xf32, #tpu.memory_space<hbm>> -> memref<100000xf32, #tpu.memory_space<hbm>>
        tpu.enqueue_dma source(%dma_start3A_17 : memref<100000xf32, #tpu.memory_space<hbm>>) target(%arg7 : memref<100000xf32, #tpu.memory_space<vmem>>) target_semaphore(%run_scoped3A : memref<!tpu.dma_semaphore, #tpu.memory_space<semaphore_mem>>)
        %dma_wait3A = arith.constant 0 : i32
        %dma_wait3A_18 = tpu.memref_slice %arg2[%scan3A_6, %add3A, %dma_wait3A] : memref<26x32x100000xf32, #tpu.memory_space<hbm>> -> memref<1x1x100000xf32, #tpu.memory_space<hbm>>
        %dma_wait3A_19 = tpu.memref_squeeze %dma_wait3A_18 : memref<1x1x100000xf32, #tpu.memory_space<hbm>> -> memref<100000xf32, #tpu.memory_space<hbm>>
        %dma_wait3A_20 = arith.constant 0 : i32
        %dma_wait3A_21 = tpu.memref_slice %arg2[%scan3A_6, %add3A, %dma_wait3A_20] : memref<26x32x100000xf32, #tpu.memory_space<hbm>> -> memref<1x1x100000xf32, #tpu.memory_space<hbm>>
        %dma_wait3A_22 = tpu.memref_squeeze %dma_wait3A_21 : memref<1x1x100000xf32, #tpu.memory_space<hbm>> -> memref<100000xf32, #tpu.memory_space<hbm>>
        tpu.wait_dma2 semaphore(%run_scoped3A : memref<!tpu.dma_semaphore, #tpu.memory_space<semaphore_mem>>) src(%dma_wait3A_22 : memref<100000xf32, #tpu.memory_space<hbm>>) dst(%arg7 : memref<100000xf32, #tpu.memory_space<vmem>>)
        tpu.yield
      }) : () -> ()
      %mul3A_10 = arith.constant 32 : i32
      %mul3A_11 = arith.muli %scan3A_6, %mul3A_10 : i32
      %sub3A = arith.constant 99968 : i32
      %sub3A_12 = arith.subi %mul3A_11, %sub3A : i32
      "tpu.region"() ({
        %run_scoped3A = tpu.sem_alloc : memref<!tpu.dma_semaphore, #tpu.memory_space<semaphore_mem>>
        %dma_start3A = arith.constant 0 : i32
        %dma_start3A_13 = tpu.memref_slice %arg5[%add3A_9, %dma_start3A] : memref<832x4096xf32, #tpu.memory_space<hbm>> -> memref<1x4096xf32, #tpu.memory_space<hbm>>
        %dma_start3A_14 = tpu.memref_squeeze %dma_start3A_13 : memref<1x4096xf32, #tpu.memory_space<hbm>> -> memref<4096xf32, #tpu.memory_space<hbm>>
        %dma_start3A_15 = arith.constant 0 : i32
        %dma_start3A_16 = tpu.memref_slice %arg5[%add3A_9, %dma_start3A_15] : memref<832x4096xf32, #tpu.memory_space<hbm>> -> memref<1x4096xf32, #tpu.memory_space<hbm>>
        %dma_start3A_17 = tpu.memref_squeeze %dma_start3A_16 : memref<1x4096xf32, #tpu.memory_space<hbm>> -> memref<4096xf32, #tpu.memory_space<hbm>>
        tpu.enqueue_dma source(%arg8 : memref<4096xf32, #tpu.memory_space<vmem>>) target(%dma_start3A_17 : memref<4096xf32, #tpu.memory_space<hbm>>) target_semaphore(%run_scoped3A : memref<!tpu.dma_semaphore, #tpu.memory_space<semaphore_mem>>)
        %dma_wait3A = arith.constant 0 : i32
        %dma_wait3A_18 = tpu.memref_slice %arg5[%add3A_9, %dma_wait3A] : memref<832x4096xf32, #tpu.memory_space<hbm>> -> memref<1x4096xf32, #tpu.memory_space<hbm>>
        %dma_wait3A_19 = tpu.memref_squeeze %dma_wait3A_18 : memref<1x4096xf32, #tpu.memory_space<hbm>> -> memref<4096xf32, #tpu.memory_space<hbm>>
        %dma_wait3A_20 = arith.constant 0 : i32
        %dma_wait3A_21 = tpu.memref_slice %arg5[%add3A_9, %dma_wait3A_20] : memref<832x4096xf32, #tpu.memory_space<hbm>> -> memref<1x4096xf32, #tpu.memory_space<hbm>>
        %dma_wait3A_22 = tpu.memref_squeeze %dma_wait3A_21 : memref<1x4096xf32, #tpu.memory_space<hbm>> -> memref<4096xf32, #tpu.memory_space<hbm>>
        tpu.wait_dma2 semaphore(%run_scoped3A : memref<!tpu.dma_semaphore, #tpu.memory_space<semaphore_mem>>) src(%arg8 : memref<4096xf32, #tpu.memory_space<vmem>>) dst(%dma_wait3A_22 : memref<4096xf32, #tpu.memory_space<hbm>>)
        tpu.yield
      }) : () -> ()
    }
    %scan3A_5 = arith.constant 26 : i32
    return
  }
}

module attributes {stable_mosaic.version = 14 : i64} {
  func.func @_tc_body(%arg0: i32, %arg1: memref<13x512xf32, #tpu.memory_space<vmem>>, %arg2: memref<832x512xf32, #tpu.memory_space<vmem>>, %arg3: memref<512x13xf32, #tpu.memory_space<vmem>>, %arg4: memref<512x1xf32, #tpu.memory_space<vmem>>, %arg5: memref<256x512xf32, #tpu.memory_space<vmem>>, %arg6: memref<256x1xf32, #tpu.memory_space<vmem>>, %arg7: memref<32x256xf32, #tpu.memory_space<vmem>>, %arg8: memref<32x1xf32, #tpu.memory_space<vmem>>, %arg9: memref<1024x383xf32, #tpu.memory_space<vmem>>, %arg10: memref<1024x1xf32, #tpu.memory_space<vmem>>, %arg11: memref<1024x1024xf32, #tpu.memory_space<vmem>>, %arg12: memref<1024x1xf32, #tpu.memory_space<vmem>>, %arg13: memref<512x1024xf32, #tpu.memory_space<vmem>>, %arg14: memref<512x1xf32, #tpu.memory_space<vmem>>, %arg15: memref<256x512xf32, #tpu.memory_space<vmem>>, %arg16: memref<256x1xf32, #tpu.memory_space<vmem>>, %arg17: memref<1x256xf32, #tpu.memory_space<vmem>>, %arg18: memref<1x1xf32, #tpu.memory_space<vmem>>, %arg19: memref<1x512xf32, #tpu.memory_space<vmem>>) attributes {dimension_semantics = [#tpu.dimension_semantics<arbitrary>], iteration_bounds = array<i64: 8>, scalar_prefetch = 0 : i64, scratch_operands = 0 : i64, tpu.core_type = #tpu.core_type<tc>, window_params = [{transform_indices = @transform_0, window_bounds = array<i64: 13, 512>}, {transform_indices = @transform_1, window_bounds = array<i64: 832, 512>}, {pipeline_mode = #tpu.pipeline_mode<synchronous>, transform_indices = @transform_2, window_bounds = array<i64: 512, 13>}, {pipeline_mode = #tpu.pipeline_mode<synchronous>, transform_indices = @transform_3, window_bounds = array<i64: 512, 1>}, {pipeline_mode = #tpu.pipeline_mode<synchronous>, transform_indices = @transform_4, window_bounds = array<i64: 256, 512>}, {pipeline_mode = #tpu.pipeline_mode<synchronous>, transform_indices = @transform_5, window_bounds = array<i64: 256, 1>}, {pipeline_mode = #tpu.pipeline_mode<synchronous>, transform_indices = @transform_6, window_bounds = array<i64: 32, 256>}, {pipeline_mode = #tpu.pipeline_mode<synchronous>, transform_indices = @transform_7, window_bounds = array<i64: 32, 1>}, {pipeline_mode = #tpu.pipeline_mode<synchronous>, transform_indices = @transform_8, window_bounds = array<i64: 1024, 383>}, {pipeline_mode = #tpu.pipeline_mode<synchronous>, transform_indices = @transform_9, window_bounds = array<i64: 1024, 1>}, {pipeline_mode = #tpu.pipeline_mode<synchronous>, transform_indices = @transform_10, window_bounds = array<i64: 1024, 1024>}, {pipeline_mode = #tpu.pipeline_mode<synchronous>, transform_indices = @transform_11, window_bounds = array<i64: 1024, 1>}, {pipeline_mode = #tpu.pipeline_mode<synchronous>, transform_indices = @transform_12, window_bounds = array<i64: 512, 1024>}, {pipeline_mode = #tpu.pipeline_mode<synchronous>, transform_indices = @transform_13, window_bounds = array<i64: 512, 1>}, {pipeline_mode = #tpu.pipeline_mode<synchronous>, transform_indices = @transform_14, window_bounds = array<i64: 256, 512>}, {pipeline_mode = #tpu.pipeline_mode<synchronous>, transform_indices = @transform_15, window_bounds = array<i64: 256, 1>}, {pipeline_mode = #tpu.pipeline_mode<synchronous>, transform_indices = @transform_16, window_bounds = array<i64: 1, 256>}, {pipeline_mode = #tpu.pipeline_mode<synchronous>, transform_indices = @transform_17, window_bounds = array<i64: 1, 1>}, {transform_indices = @transform_18, window_bounds = array<i64: 1, 512>}]} {
    %get3A = arith.constant 0 : index
    %get3A_0 = arith.constant 0 : index
    %get3A_1 = vector.load %arg3[%get3A, %get3A_0] : memref<512x13xf32, #tpu.memory_space<vmem>>, vector<512x13xf32>
    %get3A_2 = arith.constant 0 : index
    %get3A_3 = arith.constant 0 : index
    %get3A_4 = vector.load %arg1[%get3A_2, %get3A_3] : memref<13x512xf32, #tpu.memory_space<vmem>>, vector<13x512xf32>
    %dot_general3A = arith.constant dense<0.000000e+00> : vector<512x512xf32>
    %dot_general3A_5 = tpu.matmul %get3A_1, %get3A_4, %dot_general3A {dimension_numbers = #tpu.dot_dimension_numbers<[1], [0], [0], [1], [0, 0, 1, 1], [], []>, transpose_lhs_hint = false} : vector<512x13xf32>, vector<13x512xf32>, vector<512x512xf32> -> vector<512x512xf32>
    %get3A_6 = arith.constant 0 : index
    %get3A_7 = arith.constant 0 : index
    %get3A_8 = vector.load %arg4[%get3A_6, %get3A_7] : memref<512x1xf32, #tpu.memory_space<vmem>>, vector<512x1xf32>
    %add3A = vector.broadcast %get3A_8 : vector<512x1xf32> to vector<512x512xf32>
    %add3A_9 = arith.addf %dot_general3A_5, %add3A : vector<512x512xf32>
    %max3A = arith.constant 0.000000e+00 : f32
    %max3A_10 = vector.broadcast %max3A : f32 to vector<512x512xf32>
    %max3A_11 = arith.maximumf %add3A_9, %max3A_10 : vector<512x512xf32>
    %get3A_12 = arith.constant 0 : index
    %get3A_13 = arith.constant 0 : index
    %get3A_14 = vector.load %arg5[%get3A_12, %get3A_13] : memref<256x512xf32, #tpu.memory_space<vmem>>, vector<256x512xf32>
    %dot_general3A_15 = arith.constant dense<0.000000e+00> : vector<256x512xf32>
    %dot_general3A_16 = tpu.matmul %get3A_14, %max3A_11, %dot_general3A_15 {dimension_numbers = #tpu.dot_dimension_numbers<[1], [0], [0], [1], [0, 0, 1, 1], [], []>, transpose_lhs_hint = false} : vector<256x512xf32>, vector<512x512xf32>, vector<256x512xf32> -> vector<256x512xf32>
    %get3A_17 = arith.constant 0 : index
    %get3A_18 = arith.constant 0 : index
    %get3A_19 = vector.load %arg6[%get3A_17, %get3A_18] : memref<256x1xf32, #tpu.memory_space<vmem>>, vector<256x1xf32>
    %add3A_20 = vector.broadcast %get3A_19 : vector<256x1xf32> to vector<256x512xf32>
    %add3A_21 = arith.addf %dot_general3A_16, %add3A_20 : vector<256x512xf32>
    %max3A_22 = arith.constant 0.000000e+00 : f32
    %max3A_23 = vector.broadcast %max3A_22 : f32 to vector<256x512xf32>
    %max3A_24 = arith.maximumf %add3A_21, %max3A_23 : vector<256x512xf32>
    %get3A_25 = arith.constant 0 : index
    %get3A_26 = arith.constant 0 : index
    %get3A_27 = vector.load %arg7[%get3A_25, %get3A_26] : memref<32x256xf32, #tpu.memory_space<vmem>>, vector<32x256xf32>
    %dot_general3A_28 = arith.constant dense<0.000000e+00> : vector<32x512xf32>
    %dot_general3A_29 = tpu.matmul %get3A_27, %max3A_24, %dot_general3A_28 {dimension_numbers = #tpu.dot_dimension_numbers<[1], [0], [0], [1], [0, 0, 1, 1], [], []>, transpose_lhs_hint = false} : vector<32x256xf32>, vector<256x512xf32>, vector<32x512xf32> -> vector<32x512xf32>
    %get3A_30 = arith.constant 0 : index
    %get3A_31 = arith.constant 0 : index
    %get3A_32 = vector.load %arg8[%get3A_30, %get3A_31] : memref<32x1xf32, #tpu.memory_space<vmem>>, vector<32x1xf32>
    %add3A_33 = vector.broadcast %get3A_32 : vector<32x1xf32> to vector<32x512xf32>
    %add3A_34 = arith.addf %dot_general3A_29, %add3A_33 : vector<32x512xf32>
    %max3A_35 = arith.constant 0.000000e+00 : f32
    %max3A_36 = vector.broadcast %max3A_35 : f32 to vector<32x512xf32>
    %max3A_37 = arith.maximumf %add3A_34, %max3A_36 : vector<32x512xf32>
    %get3A_38 = arith.constant 0 : index
    %get3A_39 = arith.constant 0 : index
    %get3A_40 = vector.load %arg2[%get3A_38, %get3A_39] : memref<832x512xf32, #tpu.memory_space<vmem>>, vector<832x512xf32>
    %slice3A = vector.extract_strided_slice %get3A_40 {offsets = [0, 0], sizes = [32, 512], strides = [1, 1]} : vector<832x512xf32> to vector<32x512xf32>
    %slice3A_41 = vector.extract_strided_slice %get3A_40 {offsets = [32, 0], sizes = [32, 512], strides = [1, 1]} : vector<832x512xf32> to vector<32x512xf32>
    %slice3A_42 = vector.extract_strided_slice %get3A_40 {offsets = [64, 0], sizes = [32, 512], strides = [1, 1]} : vector<832x512xf32> to vector<32x512xf32>
    %slice3A_43 = vector.extract_strided_slice %get3A_40 {offsets = [96, 0], sizes = [32, 512], strides = [1, 1]} : vector<832x512xf32> to vector<32x512xf32>
    %slice3A_44 = vector.extract_strided_slice %get3A_40 {offsets = [128, 0], sizes = [32, 512], strides = [1, 1]} : vector<832x512xf32> to vector<32x512xf32>
    %slice3A_45 = vector.extract_strided_slice %get3A_40 {offsets = [160, 0], sizes = [32, 512], strides = [1, 1]} : vector<832x512xf32> to vector<32x512xf32>
    %slice3A_46 = vector.extract_strided_slice %get3A_40 {offsets = [192, 0], sizes = [32, 512], strides = [1, 1]} : vector<832x512xf32> to vector<32x512xf32>
    %slice3A_47 = vector.extract_strided_slice %get3A_40 {offsets = [224, 0], sizes = [32, 512], strides = [1, 1]} : vector<832x512xf32> to vector<32x512xf32>
    %slice3A_48 = vector.extract_strided_slice %get3A_40 {offsets = [256, 0], sizes = [32, 512], strides = [1, 1]} : vector<832x512xf32> to vector<32x512xf32>
    %slice3A_49 = vector.extract_strided_slice %get3A_40 {offsets = [288, 0], sizes = [32, 512], strides = [1, 1]} : vector<832x512xf32> to vector<32x512xf32>
    %slice3A_50 = vector.extract_strided_slice %get3A_40 {offsets = [320, 0], sizes = [32, 512], strides = [1, 1]} : vector<832x512xf32> to vector<32x512xf32>
    %slice3A_51 = vector.extract_strided_slice %get3A_40 {offsets = [352, 0], sizes = [32, 512], strides = [1, 1]} : vector<832x512xf32> to vector<32x512xf32>
    %slice3A_52 = vector.extract_strided_slice %get3A_40 {offsets = [384, 0], sizes = [32, 512], strides = [1, 1]} : vector<832x512xf32> to vector<32x512xf32>
    %slice3A_53 = vector.extract_strided_slice %get3A_40 {offsets = [416, 0], sizes = [32, 512], strides = [1, 1]} : vector<832x512xf32> to vector<32x512xf32>
    %slice3A_54 = vector.extract_strided_slice %get3A_40 {offsets = [448, 0], sizes = [32, 512], strides = [1, 1]} : vector<832x512xf32> to vector<32x512xf32>
    %slice3A_55 = vector.extract_strided_slice %get3A_40 {offsets = [480, 0], sizes = [32, 512], strides = [1, 1]} : vector<832x512xf32> to vector<32x512xf32>
    %slice3A_56 = vector.extract_strided_slice %get3A_40 {offsets = [512, 0], sizes = [32, 512], strides = [1, 1]} : vector<832x512xf32> to vector<32x512xf32>
    %slice3A_57 = vector.extract_strided_slice %get3A_40 {offsets = [544, 0], sizes = [32, 512], strides = [1, 1]} : vector<832x512xf32> to vector<32x512xf32>
    %slice3A_58 = vector.extract_strided_slice %get3A_40 {offsets = [576, 0], sizes = [32, 512], strides = [1, 1]} : vector<832x512xf32> to vector<32x512xf32>
    %slice3A_59 = vector.extract_strided_slice %get3A_40 {offsets = [608, 0], sizes = [32, 512], strides = [1, 1]} : vector<832x512xf32> to vector<32x512xf32>
    %slice3A_60 = vector.extract_strided_slice %get3A_40 {offsets = [640, 0], sizes = [32, 512], strides = [1, 1]} : vector<832x512xf32> to vector<32x512xf32>
    %slice3A_61 = vector.extract_strided_slice %get3A_40 {offsets = [672, 0], sizes = [32, 512], strides = [1, 1]} : vector<832x512xf32> to vector<32x512xf32>
    %slice3A_62 = vector.extract_strided_slice %get3A_40 {offsets = [704, 0], sizes = [32, 512], strides = [1, 1]} : vector<832x512xf32> to vector<32x512xf32>
    %slice3A_63 = vector.extract_strided_slice %get3A_40 {offsets = [736, 0], sizes = [32, 512], strides = [1, 1]} : vector<832x512xf32> to vector<32x512xf32>
    %slice3A_64 = vector.extract_strided_slice %get3A_40 {offsets = [768, 0], sizes = [32, 512], strides = [1, 1]} : vector<832x512xf32> to vector<32x512xf32>
    %slice3A_65 = vector.extract_strided_slice %get3A_40 {offsets = [800, 0], sizes = [32, 512], strides = [1, 1]} : vector<832x512xf32> to vector<32x512xf32>
    %mul3A = arith.mulf %slice3A, %max3A_37 : vector<32x512xf32>
    %reduce_sum3A = arith.constant dense<0.000000e+00> : vector<512xf32>
    %reduce_sum3A_66 = vector.multi_reduction <add>, %mul3A, %reduce_sum3A [0] : vector<32x512xf32> to vector<512xf32>
    %broadcast_in_dim3A = vector.shape_cast %reduce_sum3A_66 : vector<512xf32> to vector<1x512xf32>
    %mul3A_67 = arith.mulf %slice3A_41, %max3A_37 : vector<32x512xf32>
    %reduce_sum3A_68 = arith.constant dense<0.000000e+00> : vector<512xf32>
    %reduce_sum3A_69 = vector.multi_reduction <add>, %mul3A_67, %reduce_sum3A_68 [0] : vector<32x512xf32> to vector<512xf32>
    %broadcast_in_dim3A_70 = vector.shape_cast %reduce_sum3A_69 : vector<512xf32> to vector<1x512xf32>
    %mul3A_71 = arith.mulf %slice3A_41, %slice3A : vector<32x512xf32>
    %reduce_sum3A_72 = arith.constant dense<0.000000e+00> : vector<512xf32>
    %reduce_sum3A_73 = vector.multi_reduction <add>, %mul3A_71, %reduce_sum3A_72 [0] : vector<32x512xf32> to vector<512xf32>
    %broadcast_in_dim3A_74 = vector.shape_cast %reduce_sum3A_73 : vector<512xf32> to vector<1x512xf32>
    %mul3A_75 = arith.mulf %slice3A_42, %max3A_37 : vector<32x512xf32>
    %reduce_sum3A_76 = arith.constant dense<0.000000e+00> : vector<512xf32>
    %reduce_sum3A_77 = vector.multi_reduction <add>, %mul3A_75, %reduce_sum3A_76 [0] : vector<32x512xf32> to vector<512xf32>
    %broadcast_in_dim3A_78 = vector.shape_cast %reduce_sum3A_77 : vector<512xf32> to vector<1x512xf32>
    %mul3A_79 = arith.mulf %slice3A_42, %slice3A : vector<32x512xf32>
    %reduce_sum3A_80 = arith.constant dense<0.000000e+00> : vector<512xf32>
    %reduce_sum3A_81 = vector.multi_reduction <add>, %mul3A_79, %reduce_sum3A_80 [0] : vector<32x512xf32> to vector<512xf32>
    %broadcast_in_dim3A_82 = vector.shape_cast %reduce_sum3A_81 : vector<512xf32> to vector<1x512xf32>
    %mul3A_83 = arith.mulf %slice3A_42, %slice3A_41 : vector<32x512xf32>
    %reduce_sum3A_84 = arith.constant dense<0.000000e+00> : vector<512xf32>
    %reduce_sum3A_85 = vector.multi_reduction <add>, %mul3A_83, %reduce_sum3A_84 [0] : vector<32x512xf32> to vector<512xf32>
    %broadcast_in_dim3A_86 = vector.shape_cast %reduce_sum3A_85 : vector<512xf32> to vector<1x512xf32>
    %mul3A_87 = arith.mulf %slice3A_43, %max3A_37 : vector<32x512xf32>
    %reduce_sum3A_88 = arith.constant dense<0.000000e+00> : vector<512xf32>
    %reduce_sum3A_89 = vector.multi_reduction <add>, %mul3A_87, %reduce_sum3A_88 [0] : vector<32x512xf32> to vector<512xf32>
    %broadcast_in_dim3A_90 = vector.shape_cast %reduce_sum3A_89 : vector<512xf32> to vector<1x512xf32>
    %mul3A_91 = arith.mulf %slice3A_43, %slice3A : vector<32x512xf32>
    %reduce_sum3A_92 = arith.constant dense<0.000000e+00> : vector<512xf32>
    %reduce_sum3A_93 = vector.multi_reduction <add>, %mul3A_91, %reduce_sum3A_92 [0] : vector<32x512xf32> to vector<512xf32>
    %broadcast_in_dim3A_94 = vector.shape_cast %reduce_sum3A_93 : vector<512xf32> to vector<1x512xf32>
    %mul3A_95 = arith.mulf %slice3A_43, %slice3A_41 : vector<32x512xf32>
    %reduce_sum3A_96 = arith.constant dense<0.000000e+00> : vector<512xf32>
    %reduce_sum3A_97 = vector.multi_reduction <add>, %mul3A_95, %reduce_sum3A_96 [0] : vector<32x512xf32> to vector<512xf32>
    %broadcast_in_dim3A_98 = vector.shape_cast %reduce_sum3A_97 : vector<512xf32> to vector<1x512xf32>
    %mul3A_99 = arith.mulf %slice3A_43, %slice3A_42 : vector<32x512xf32>
    %reduce_sum3A_100 = arith.constant dense<0.000000e+00> : vector<512xf32>
    %reduce_sum3A_101 = vector.multi_reduction <add>, %mul3A_99, %reduce_sum3A_100 [0] : vector<32x512xf32> to vector<512xf32>
    %broadcast_in_dim3A_102 = vector.shape_cast %reduce_sum3A_101 : vector<512xf32> to vector<1x512xf32>
    %mul3A_103 = arith.mulf %slice3A_44, %max3A_37 : vector<32x512xf32>
    %reduce_sum3A_104 = arith.constant dense<0.000000e+00> : vector<512xf32>
    %reduce_sum3A_105 = vector.multi_reduction <add>, %mul3A_103, %reduce_sum3A_104 [0] : vector<32x512xf32> to vector<512xf32>
    %broadcast_in_dim3A_106 = vector.shape_cast %reduce_sum3A_105 : vector<512xf32> to vector<1x512xf32>
    %mul3A_107 = arith.mulf %slice3A_44, %slice3A : vector<32x512xf32>
    %reduce_sum3A_108 = arith.constant dense<0.000000e+00> : vector<512xf32>
    %reduce_sum3A_109 = vector.multi_reduction <add>, %mul3A_107, %reduce_sum3A_108 [0] : vector<32x512xf32> to vector<512xf32>
    %broadcast_in_dim3A_110 = vector.shape_cast %reduce_sum3A_109 : vector<512xf32> to vector<1x512xf32>
    %mul3A_111 = arith.mulf %slice3A_44, %slice3A_41 : vector<32x512xf32>
    %reduce_sum3A_112 = arith.constant dense<0.000000e+00> : vector<512xf32>
    %reduce_sum3A_113 = vector.multi_reduction <add>, %mul3A_111, %reduce_sum3A_112 [0] : vector<32x512xf32> to vector<512xf32>
    %broadcast_in_dim3A_114 = vector.shape_cast %reduce_sum3A_113 : vector<512xf32> to vector<1x512xf32>
    %mul3A_115 = arith.mulf %slice3A_44, %slice3A_42 : vector<32x512xf32>
    %reduce_sum3A_116 = arith.constant dense<0.000000e+00> : vector<512xf32>
    %reduce_sum3A_117 = vector.multi_reduction <add>, %mul3A_115, %reduce_sum3A_116 [0] : vector<32x512xf32> to vector<512xf32>
    %broadcast_in_dim3A_118 = vector.shape_cast %reduce_sum3A_117 : vector<512xf32> to vector<1x512xf32>
    %mul3A_119 = arith.mulf %slice3A_44, %slice3A_43 : vector<32x512xf32>
    %reduce_sum3A_120 = arith.constant dense<0.000000e+00> : vector<512xf32>
    %reduce_sum3A_121 = vector.multi_reduction <add>, %mul3A_119, %reduce_sum3A_120 [0] : vector<32x512xf32> to vector<512xf32>
    %broadcast_in_dim3A_122 = vector.shape_cast %reduce_sum3A_121 : vector<512xf32> to vector<1x512xf32>
    %mul3A_123 = arith.mulf %slice3A_45, %max3A_37 : vector<32x512xf32>
    %reduce_sum3A_124 = arith.constant dense<0.000000e+00> : vector<512xf32>
    %reduce_sum3A_125 = vector.multi_reduction <add>, %mul3A_123, %reduce_sum3A_124 [0] : vector<32x512xf32> to vector<512xf32>
    %broadcast_in_dim3A_126 = vector.shape_cast %reduce_sum3A_125 : vector<512xf32> to vector<1x512xf32>
    %mul3A_127 = arith.mulf %slice3A_45, %slice3A : vector<32x512xf32>
    %reduce_sum3A_128 = arith.constant dense<0.000000e+00> : vector<512xf32>
    %reduce_sum3A_129 = vector.multi_reduction <add>, %mul3A_127, %reduce_sum3A_128 [0] : vector<32x512xf32> to vector<512xf32>
    %broadcast_in_dim3A_130 = vector.shape_cast %reduce_sum3A_129 : vector<512xf32> to vector<1x512xf32>
    %mul3A_131 = arith.mulf %slice3A_45, %slice3A_41 : vector<32x512xf32>
    %reduce_sum3A_132 = arith.constant dense<0.000000e+00> : vector<512xf32>
    %reduce_sum3A_133 = vector.multi_reduction <add>, %mul3A_131, %reduce_sum3A_132 [0] : vector<32x512xf32> to vector<512xf32>
    %broadcast_in_dim3A_134 = vector.shape_cast %reduce_sum3A_133 : vector<512xf32> to vector<1x512xf32>
    %mul3A_135 = arith.mulf %slice3A_45, %slice3A_42 : vector<32x512xf32>
    %reduce_sum3A_136 = arith.constant dense<0.000000e+00> : vector<512xf32>
    %reduce_sum3A_137 = vector.multi_reduction <add>, %mul3A_135, %reduce_sum3A_136 [0] : vector<32x512xf32> to vector<512xf32>
    %broadcast_in_dim3A_138 = vector.shape_cast %reduce_sum3A_137 : vector<512xf32> to vector<1x512xf32>
    %mul3A_139 = arith.mulf %slice3A_45, %slice3A_43 : vector<32x512xf32>
    %reduce_sum3A_140 = arith.constant dense<0.000000e+00> : vector<512xf32>
    %reduce_sum3A_141 = vector.multi_reduction <add>, %mul3A_139, %reduce_sum3A_140 [0] : vector<32x512xf32> to vector<512xf32>
    %broadcast_in_dim3A_142 = vector.shape_cast %reduce_sum3A_141 : vector<512xf32> to vector<1x512xf32>
    %mul3A_143 = arith.mulf %slice3A_45, %slice3A_44 : vector<32x512xf32>
    %reduce_sum3A_144 = arith.constant dense<0.000000e+00> : vector<512xf32>
    %reduce_sum3A_145 = vector.multi_reduction <add>, %mul3A_143, %reduce_sum3A_144 [0] : vector<32x512xf32> to vector<512xf32>
    %broadcast_in_dim3A_146 = vector.shape_cast %reduce_sum3A_145 : vector<512xf32> to vector<1x512xf32>
    %mul3A_147 = arith.mulf %slice3A_46, %max3A_37 : vector<32x512xf32>
    %reduce_sum3A_148 = arith.constant dense<0.000000e+00> : vector<512xf32>
    %reduce_sum3A_149 = vector.multi_reduction <add>, %mul3A_147, %reduce_sum3A_148 [0] : vector<32x512xf32> to vector<512xf32>
    %broadcast_in_dim3A_150 = vector.shape_cast %reduce_sum3A_149 : vector<512xf32> to vector<1x512xf32>
    %mul3A_151 = arith.mulf %slice3A_46, %slice3A : vector<32x512xf32>
    %reduce_sum3A_152 = arith.constant dense<0.000000e+00> : vector<512xf32>
    %reduce_sum3A_153 = vector.multi_reduction <add>, %mul3A_151, %reduce_sum3A_152 [0] : vector<32x512xf32> to vector<512xf32>
    %broadcast_in_dim3A_154 = vector.shape_cast %reduce_sum3A_153 : vector<512xf32> to vector<1x512xf32>
    %mul3A_155 = arith.mulf %slice3A_46, %slice3A_41 : vector<32x512xf32>
    %reduce_sum3A_156 = arith.constant dense<0.000000e+00> : vector<512xf32>
    %reduce_sum3A_157 = vector.multi_reduction <add>, %mul3A_155, %reduce_sum3A_156 [0] : vector<32x512xf32> to vector<512xf32>
    %broadcast_in_dim3A_158 = vector.shape_cast %reduce_sum3A_157 : vector<512xf32> to vector<1x512xf32>
    %mul3A_159 = arith.mulf %slice3A_46, %slice3A_42 : vector<32x512xf32>
    %reduce_sum3A_160 = arith.constant dense<0.000000e+00> : vector<512xf32>
    %reduce_sum3A_161 = vector.multi_reduction <add>, %mul3A_159, %reduce_sum3A_160 [0] : vector<32x512xf32> to vector<512xf32>
    %broadcast_in_dim3A_162 = vector.shape_cast %reduce_sum3A_161 : vector<512xf32> to vector<1x512xf32>
    %mul3A_163 = arith.mulf %slice3A_46, %slice3A_43 : vector<32x512xf32>
    %reduce_sum3A_164 = arith.constant dense<0.000000e+00> : vector<512xf32>
    %reduce_sum3A_165 = vector.multi_reduction <add>, %mul3A_163, %reduce_sum3A_164 [0] : vector<32x512xf32> to vector<512xf32>
    %broadcast_in_dim3A_166 = vector.shape_cast %reduce_sum3A_165 : vector<512xf32> to vector<1x512xf32>
    %mul3A_167 = arith.mulf %slice3A_46, %slice3A_44 : vector<32x512xf32>
    %reduce_sum3A_168 = arith.constant dense<0.000000e+00> : vector<512xf32>
    %reduce_sum3A_169 = vector.multi_reduction <add>, %mul3A_167, %reduce_sum3A_168 [0] : vector<32x512xf32> to vector<512xf32>
    %broadcast_in_dim3A_170 = vector.shape_cast %reduce_sum3A_169 : vector<512xf32> to vector<1x512xf32>
    %mul3A_171 = arith.mulf %slice3A_46, %slice3A_45 : vector<32x512xf32>
    %reduce_sum3A_172 = arith.constant dense<0.000000e+00> : vector<512xf32>
    %reduce_sum3A_173 = vector.multi_reduction <add>, %mul3A_171, %reduce_sum3A_172 [0] : vector<32x512xf32> to vector<512xf32>
    %broadcast_in_dim3A_174 = vector.shape_cast %reduce_sum3A_173 : vector<512xf32> to vector<1x512xf32>
    %mul3A_175 = arith.mulf %slice3A_47, %max3A_37 : vector<32x512xf32>
    %reduce_sum3A_176 = arith.constant dense<0.000000e+00> : vector<512xf32>
    %reduce_sum3A_177 = vector.multi_reduction <add>, %mul3A_175, %reduce_sum3A_176 [0] : vector<32x512xf32> to vector<512xf32>
    %broadcast_in_dim3A_178 = vector.shape_cast %reduce_sum3A_177 : vector<512xf32> to vector<1x512xf32>
    %mul3A_179 = arith.mulf %slice3A_47, %slice3A : vector<32x512xf32>
    %reduce_sum3A_180 = arith.constant dense<0.000000e+00> : vector<512xf32>
    %reduce_sum3A_181 = vector.multi_reduction <add>, %mul3A_179, %reduce_sum3A_180 [0] : vector<32x512xf32> to vector<512xf32>
    %broadcast_in_dim3A_182 = vector.shape_cast %reduce_sum3A_181 : vector<512xf32> to vector<1x512xf32>
    %mul3A_183 = arith.mulf %slice3A_47, %slice3A_41 : vector<32x512xf32>
    %reduce_sum3A_184 = arith.constant dense<0.000000e+00> : vector<512xf32>
    %reduce_sum3A_185 = vector.multi_reduction <add>, %mul3A_183, %reduce_sum3A_184 [0] : vector<32x512xf32> to vector<512xf32>
    %broadcast_in_dim3A_186 = vector.shape_cast %reduce_sum3A_185 : vector<512xf32> to vector<1x512xf32>
    %mul3A_187 = arith.mulf %slice3A_47, %slice3A_42 : vector<32x512xf32>
    %reduce_sum3A_188 = arith.constant dense<0.000000e+00> : vector<512xf32>
    %reduce_sum3A_189 = vector.multi_reduction <add>, %mul3A_187, %reduce_sum3A_188 [0] : vector<32x512xf32> to vector<512xf32>
    %broadcast_in_dim3A_190 = vector.shape_cast %reduce_sum3A_189 : vector<512xf32> to vector<1x512xf32>
    %mul3A_191 = arith.mulf %slice3A_47, %slice3A_43 : vector<32x512xf32>
    %reduce_sum3A_192 = arith.constant dense<0.000000e+00> : vector<512xf32>
    %reduce_sum3A_193 = vector.multi_reduction <add>, %mul3A_191, %reduce_sum3A_192 [0] : vector<32x512xf32> to vector<512xf32>
    %broadcast_in_dim3A_194 = vector.shape_cast %reduce_sum3A_193 : vector<512xf32> to vector<1x512xf32>
    %mul3A_195 = arith.mulf %slice3A_47, %slice3A_44 : vector<32x512xf32>
    %reduce_sum3A_196 = arith.constant dense<0.000000e+00> : vector<512xf32>
    %reduce_sum3A_197 = vector.multi_reduction <add>, %mul3A_195, %reduce_sum3A_196 [0] : vector<32x512xf32> to vector<512xf32>
    %broadcast_in_dim3A_198 = vector.shape_cast %reduce_sum3A_197 : vector<512xf32> to vector<1x512xf32>
    %mul3A_199 = arith.mulf %slice3A_47, %slice3A_45 : vector<32x512xf32>
    %reduce_sum3A_200 = arith.constant dense<0.000000e+00> : vector<512xf32>
    %reduce_sum3A_201 = vector.multi_reduction <add>, %mul3A_199, %reduce_sum3A_200 [0] : vector<32x512xf32> to vector<512xf32>
    %broadcast_in_dim3A_202 = vector.shape_cast %reduce_sum3A_201 : vector<512xf32> to vector<1x512xf32>
    %mul3A_203 = arith.mulf %slice3A_47, %slice3A_46 : vector<32x512xf32>
    %reduce_sum3A_204 = arith.constant dense<0.000000e+00> : vector<512xf32>
    %reduce_sum3A_205 = vector.multi_reduction <add>, %mul3A_203, %reduce_sum3A_204 [0] : vector<32x512xf32> to vector<512xf32>
    %broadcast_in_dim3A_206 = vector.shape_cast %reduce_sum3A_205 : vector<512xf32> to vector<1x512xf32>
    %mul3A_207 = arith.mulf %slice3A_48, %max3A_37 : vector<32x512xf32>
    %reduce_sum3A_208 = arith.constant dense<0.000000e+00> : vector<512xf32>
    %reduce_sum3A_209 = vector.multi_reduction <add>, %mul3A_207, %reduce_sum3A_208 [0] : vector<32x512xf32> to vector<512xf32>
    %broadcast_in_dim3A_210 = vector.shape_cast %reduce_sum3A_209 : vector<512xf32> to vector<1x512xf32>
    %mul3A_211 = arith.mulf %slice3A_48, %slice3A : vector<32x512xf32>
    %reduce_sum3A_212 = arith.constant dense<0.000000e+00> : vector<512xf32>
    %reduce_sum3A_213 = vector.multi_reduction <add>, %mul3A_211, %reduce_sum3A_212 [0] : vector<32x512xf32> to vector<512xf32>
    %broadcast_in_dim3A_214 = vector.shape_cast %reduce_sum3A_213 : vector<512xf32> to vector<1x512xf32>
    %mul3A_215 = arith.mulf %slice3A_48, %slice3A_41 : vector<32x512xf32>
    %reduce_sum3A_216 = arith.constant dense<0.000000e+00> : vector<512xf32>
    %reduce_sum3A_217 = vector.multi_reduction <add>, %mul3A_215, %reduce_sum3A_216 [0] : vector<32x512xf32> to vector<512xf32>
    %broadcast_in_dim3A_218 = vector.shape_cast %reduce_sum3A_217 : vector<512xf32> to vector<1x512xf32>
    %mul3A_219 = arith.mulf %slice3A_48, %slice3A_42 : vector<32x512xf32>
    %reduce_sum3A_220 = arith.constant dense<0.000000e+00> : vector<512xf32>
    %reduce_sum3A_221 = vector.multi_reduction <add>, %mul3A_219, %reduce_sum3A_220 [0] : vector<32x512xf32> to vector<512xf32>
    %broadcast_in_dim3A_222 = vector.shape_cast %reduce_sum3A_221 : vector<512xf32> to vector<1x512xf32>
    %mul3A_223 = arith.mulf %slice3A_48, %slice3A_43 : vector<32x512xf32>
    %reduce_sum3A_224 = arith.constant dense<0.000000e+00> : vector<512xf32>
    %reduce_sum3A_225 = vector.multi_reduction <add>, %mul3A_223, %reduce_sum3A_224 [0] : vector<32x512xf32> to vector<512xf32>
    %broadcast_in_dim3A_226 = vector.shape_cast %reduce_sum3A_225 : vector<512xf32> to vector<1x512xf32>
    %mul3A_227 = arith.mulf %slice3A_48, %slice3A_44 : vector<32x512xf32>
    %reduce_sum3A_228 = arith.constant dense<0.000000e+00> : vector<512xf32>
    %reduce_sum3A_229 = vector.multi_reduction <add>, %mul3A_227, %reduce_sum3A_228 [0] : vector<32x512xf32> to vector<512xf32>
    %broadcast_in_dim3A_230 = vector.shape_cast %reduce_sum3A_229 : vector<512xf32> to vector<1x512xf32>
    %mul3A_231 = arith.mulf %slice3A_48, %slice3A_45 : vector<32x512xf32>
    %reduce_sum3A_232 = arith.constant dense<0.000000e+00> : vector<512xf32>
    %reduce_sum3A_233 = vector.multi_reduction <add>, %mul3A_231, %reduce_sum3A_232 [0] : vector<32x512xf32> to vector<512xf32>
    %broadcast_in_dim3A_234 = vector.shape_cast %reduce_sum3A_233 : vector<512xf32> to vector<1x512xf32>
    %mul3A_235 = arith.mulf %slice3A_48, %slice3A_46 : vector<32x512xf32>
    %reduce_sum3A_236 = arith.constant dense<0.000000e+00> : vector<512xf32>
    %reduce_sum3A_237 = vector.multi_reduction <add>, %mul3A_235, %reduce_sum3A_236 [0] : vector<32x512xf32> to vector<512xf32>
    %broadcast_in_dim3A_238 = vector.shape_cast %reduce_sum3A_237 : vector<512xf32> to vector<1x512xf32>
    %mul3A_239 = arith.mulf %slice3A_48, %slice3A_47 : vector<32x512xf32>
    %reduce_sum3A_240 = arith.constant dense<0.000000e+00> : vector<512xf32>
    %reduce_sum3A_241 = vector.multi_reduction <add>, %mul3A_239, %reduce_sum3A_240 [0] : vector<32x512xf32> to vector<512xf32>
    %broadcast_in_dim3A_242 = vector.shape_cast %reduce_sum3A_241 : vector<512xf32> to vector<1x512xf32>
    %mul3A_243 = arith.mulf %slice3A_49, %max3A_37 : vector<32x512xf32>
    %reduce_sum3A_244 = arith.constant dense<0.000000e+00> : vector<512xf32>
    %reduce_sum3A_245 = vector.multi_reduction <add>, %mul3A_243, %reduce_sum3A_244 [0] : vector<32x512xf32> to vector<512xf32>
    %broadcast_in_dim3A_246 = vector.shape_cast %reduce_sum3A_245 : vector<512xf32> to vector<1x512xf32>
    %mul3A_247 = arith.mulf %slice3A_49, %slice3A : vector<32x512xf32>
    %reduce_sum3A_248 = arith.constant dense<0.000000e+00> : vector<512xf32>
    %reduce_sum3A_249 = vector.multi_reduction <add>, %mul3A_247, %reduce_sum3A_248 [0] : vector<32x512xf32> to vector<512xf32>
    %broadcast_in_dim3A_250 = vector.shape_cast %reduce_sum3A_249 : vector<512xf32> to vector<1x512xf32>
    %mul3A_251 = arith.mulf %slice3A_49, %slice3A_41 : vector<32x512xf32>
    %reduce_sum3A_252 = arith.constant dense<0.000000e+00> : vector<512xf32>
    %reduce_sum3A_253 = vector.multi_reduction <add>, %mul3A_251, %reduce_sum3A_252 [0] : vector<32x512xf32> to vector<512xf32>
    %broadcast_in_dim3A_254 = vector.shape_cast %reduce_sum3A_253 : vector<512xf32> to vector<1x512xf32>
    %mul3A_255 = arith.mulf %slice3A_49, %slice3A_42 : vector<32x512xf32>
    %reduce_sum3A_256 = arith.constant dense<0.000000e+00> : vector<512xf32>
    %reduce_sum3A_257 = vector.multi_reduction <add>, %mul3A_255, %reduce_sum3A_256 [0] : vector<32x512xf32> to vector<512xf32>
    %broadcast_in_dim3A_258 = vector.shape_cast %reduce_sum3A_257 : vector<512xf32> to vector<1x512xf32>
    %mul3A_259 = arith.mulf %slice3A_49, %slice3A_43 : vector<32x512xf32>
    %reduce_sum3A_260 = arith.constant dense<0.000000e+00> : vector<512xf32>
    %reduce_sum3A_261 = vector.multi_reduction <add>, %mul3A_259, %reduce_sum3A_260 [0] : vector<32x512xf32> to vector<512xf32>
    %broadcast_in_dim3A_262 = vector.shape_cast %reduce_sum3A_261 : vector<512xf32> to vector<1x512xf32>
    %mul3A_263 = arith.mulf %slice3A_49, %slice3A_44 : vector<32x512xf32>
    %reduce_sum3A_264 = arith.constant dense<0.000000e+00> : vector<512xf32>
    %reduce_sum3A_265 = vector.multi_reduction <add>, %mul3A_263, %reduce_sum3A_264 [0] : vector<32x512xf32> to vector<512xf32>
    %broadcast_in_dim3A_266 = vector.shape_cast %reduce_sum3A_265 : vector<512xf32> to vector<1x512xf32>
    %mul3A_267 = arith.mulf %slice3A_49, %slice3A_45 : vector<32x512xf32>
    %reduce_sum3A_268 = arith.constant dense<0.000000e+00> : vector<512xf32>
    %reduce_sum3A_269 = vector.multi_reduction <add>, %mul3A_267, %reduce_sum3A_268 [0] : vector<32x512xf32> to vector<512xf32>
    %broadcast_in_dim3A_270 = vector.shape_cast %reduce_sum3A_269 : vector<512xf32> to vector<1x512xf32>
    %mul3A_271 = arith.mulf %slice3A_49, %slice3A_46 : vector<32x512xf32>
    %reduce_sum3A_272 = arith.constant dense<0.000000e+00> : vector<512xf32>
    %reduce_sum3A_273 = vector.multi_reduction <add>, %mul3A_271, %reduce_sum3A_272 [0] : vector<32x512xf32> to vector<512xf32>
    %broadcast_in_dim3A_274 = vector.shape_cast %reduce_sum3A_273 : vector<512xf32> to vector<1x512xf32>
    %mul3A_275 = arith.mulf %slice3A_49, %slice3A_47 : vector<32x512xf32>
    %reduce_sum3A_276 = arith.constant dense<0.000000e+00> : vector<512xf32>
    %reduce_sum3A_277 = vector.multi_reduction <add>, %mul3A_275, %reduce_sum3A_276 [0] : vector<32x512xf32> to vector<512xf32>
    %broadcast_in_dim3A_278 = vector.shape_cast %reduce_sum3A_277 : vector<512xf32> to vector<1x512xf32>
    %mul3A_279 = arith.mulf %slice3A_49, %slice3A_48 : vector<32x512xf32>
    %reduce_sum3A_280 = arith.constant dense<0.000000e+00> : vector<512xf32>
    %reduce_sum3A_281 = vector.multi_reduction <add>, %mul3A_279, %reduce_sum3A_280 [0] : vector<32x512xf32> to vector<512xf32>
    %broadcast_in_dim3A_282 = vector.shape_cast %reduce_sum3A_281 : vector<512xf32> to vector<1x512xf32>
    %mul3A_283 = arith.mulf %slice3A_50, %max3A_37 : vector<32x512xf32>
    %reduce_sum3A_284 = arith.constant dense<0.000000e+00> : vector<512xf32>
    %reduce_sum3A_285 = vector.multi_reduction <add>, %mul3A_283, %reduce_sum3A_284 [0] : vector<32x512xf32> to vector<512xf32>
    %broadcast_in_dim3A_286 = vector.shape_cast %reduce_sum3A_285 : vector<512xf32> to vector<1x512xf32>
    %mul3A_287 = arith.mulf %slice3A_50, %slice3A : vector<32x512xf32>
    %reduce_sum3A_288 = arith.constant dense<0.000000e+00> : vector<512xf32>
    %reduce_sum3A_289 = vector.multi_reduction <add>, %mul3A_287, %reduce_sum3A_288 [0] : vector<32x512xf32> to vector<512xf32>
    %broadcast_in_dim3A_290 = vector.shape_cast %reduce_sum3A_289 : vector<512xf32> to vector<1x512xf32>
    %mul3A_291 = arith.mulf %slice3A_50, %slice3A_41 : vector<32x512xf32>
    %reduce_sum3A_292 = arith.constant dense<0.000000e+00> : vector<512xf32>
    %reduce_sum3A_293 = vector.multi_reduction <add>, %mul3A_291, %reduce_sum3A_292 [0] : vector<32x512xf32> to vector<512xf32>
    %broadcast_in_dim3A_294 = vector.shape_cast %reduce_sum3A_293 : vector<512xf32> to vector<1x512xf32>
    %mul3A_295 = arith.mulf %slice3A_50, %slice3A_42 : vector<32x512xf32>
    %reduce_sum3A_296 = arith.constant dense<0.000000e+00> : vector<512xf32>
    %reduce_sum3A_297 = vector.multi_reduction <add>, %mul3A_295, %reduce_sum3A_296 [0] : vector<32x512xf32> to vector<512xf32>
    %broadcast_in_dim3A_298 = vector.shape_cast %reduce_sum3A_297 : vector<512xf32> to vector<1x512xf32>
    %mul3A_299 = arith.mulf %slice3A_50, %slice3A_43 : vector<32x512xf32>
    %reduce_sum3A_300 = arith.constant dense<0.000000e+00> : vector<512xf32>
    %reduce_sum3A_301 = vector.multi_reduction <add>, %mul3A_299, %reduce_sum3A_300 [0] : vector<32x512xf32> to vector<512xf32>
    %broadcast_in_dim3A_302 = vector.shape_cast %reduce_sum3A_301 : vector<512xf32> to vector<1x512xf32>
    %mul3A_303 = arith.mulf %slice3A_50, %slice3A_44 : vector<32x512xf32>
    %reduce_sum3A_304 = arith.constant dense<0.000000e+00> : vector<512xf32>
    %reduce_sum3A_305 = vector.multi_reduction <add>, %mul3A_303, %reduce_sum3A_304 [0] : vector<32x512xf32> to vector<512xf32>
    %broadcast_in_dim3A_306 = vector.shape_cast %reduce_sum3A_305 : vector<512xf32> to vector<1x512xf32>
    %mul3A_307 = arith.mulf %slice3A_50, %slice3A_45 : vector<32x512xf32>
    %reduce_sum3A_308 = arith.constant dense<0.000000e+00> : vector<512xf32>
    %reduce_sum3A_309 = vector.multi_reduction <add>, %mul3A_307, %reduce_sum3A_308 [0] : vector<32x512xf32> to vector<512xf32>
    %broadcast_in_dim3A_310 = vector.shape_cast %reduce_sum3A_309 : vector<512xf32> to vector<1x512xf32>
    %mul3A_311 = arith.mulf %slice3A_50, %slice3A_46 : vector<32x512xf32>
    %reduce_sum3A_312 = arith.constant dense<0.000000e+00> : vector<512xf32>
    %reduce_sum3A_313 = vector.multi_reduction <add>, %mul3A_311, %reduce_sum3A_312 [0] : vector<32x512xf32> to vector<512xf32>
    %broadcast_in_dim3A_314 = vector.shape_cast %reduce_sum3A_313 : vector<512xf32> to vector<1x512xf32>
    %mul3A_315 = arith.mulf %slice3A_50, %slice3A_47 : vector<32x512xf32>
    %reduce_sum3A_316 = arith.constant dense<0.000000e+00> : vector<512xf32>
    %reduce_sum3A_317 = vector.multi_reduction <add>, %mul3A_315, %reduce_sum3A_316 [0] : vector<32x512xf32> to vector<512xf32>
    %broadcast_in_dim3A_318 = vector.shape_cast %reduce_sum3A_317 : vector<512xf32> to vector<1x512xf32>
    %mul3A_319 = arith.mulf %slice3A_50, %slice3A_48 : vector<32x512xf32>
    %reduce_sum3A_320 = arith.constant dense<0.000000e+00> : vector<512xf32>
    %reduce_sum3A_321 = vector.multi_reduction <add>, %mul3A_319, %reduce_sum3A_320 [0] : vector<32x512xf32> to vector<512xf32>
    %broadcast_in_dim3A_322 = vector.shape_cast %reduce_sum3A_321 : vector<512xf32> to vector<1x512xf32>
    %mul3A_323 = arith.mulf %slice3A_50, %slice3A_49 : vector<32x512xf32>
    %reduce_sum3A_324 = arith.constant dense<0.000000e+00> : vector<512xf32>
    %reduce_sum3A_325 = vector.multi_reduction <add>, %mul3A_323, %reduce_sum3A_324 [0] : vector<32x512xf32> to vector<512xf32>
    %broadcast_in_dim3A_326 = vector.shape_cast %reduce_sum3A_325 : vector<512xf32> to vector<1x512xf32>
    %mul3A_327 = arith.mulf %slice3A_51, %max3A_37 : vector<32x512xf32>
    %reduce_sum3A_328 = arith.constant dense<0.000000e+00> : vector<512xf32>
    %reduce_sum3A_329 = vector.multi_reduction <add>, %mul3A_327, %reduce_sum3A_328 [0] : vector<32x512xf32> to vector<512xf32>
    %broadcast_in_dim3A_330 = vector.shape_cast %reduce_sum3A_329 : vector<512xf32> to vector<1x512xf32>
    %mul3A_331 = arith.mulf %slice3A_51, %slice3A : vector<32x512xf32>
    %reduce_sum3A_332 = arith.constant dense<0.000000e+00> : vector<512xf32>
    %reduce_sum3A_333 = vector.multi_reduction <add>, %mul3A_331, %reduce_sum3A_332 [0] : vector<32x512xf32> to vector<512xf32>
    %broadcast_in_dim3A_334 = vector.shape_cast %reduce_sum3A_333 : vector<512xf32> to vector<1x512xf32>
    %mul3A_335 = arith.mulf %slice3A_51, %slice3A_41 : vector<32x512xf32>
    %reduce_sum3A_336 = arith.constant dense<0.000000e+00> : vector<512xf32>
    %reduce_sum3A_337 = vector.multi_reduction <add>, %mul3A_335, %reduce_sum3A_336 [0] : vector<32x512xf32> to vector<512xf32>
    %broadcast_in_dim3A_338 = vector.shape_cast %reduce_sum3A_337 : vector<512xf32> to vector<1x512xf32>
    %mul3A_339 = arith.mulf %slice3A_51, %slice3A_42 : vector<32x512xf32>
    %reduce_sum3A_340 = arith.constant dense<0.000000e+00> : vector<512xf32>
    %reduce_sum3A_341 = vector.multi_reduction <add>, %mul3A_339, %reduce_sum3A_340 [0] : vector<32x512xf32> to vector<512xf32>
    %broadcast_in_dim3A_342 = vector.shape_cast %reduce_sum3A_341 : vector<512xf32> to vector<1x512xf32>
    %mul3A_343 = arith.mulf %slice3A_51, %slice3A_43 : vector<32x512xf32>
    %reduce_sum3A_344 = arith.constant dense<0.000000e+00> : vector<512xf32>
    %reduce_sum3A_345 = vector.multi_reduction <add>, %mul3A_343, %reduce_sum3A_344 [0] : vector<32x512xf32> to vector<512xf32>
    %broadcast_in_dim3A_346 = vector.shape_cast %reduce_sum3A_345 : vector<512xf32> to vector<1x512xf32>
    %mul3A_347 = arith.mulf %slice3A_51, %slice3A_44 : vector<32x512xf32>
    %reduce_sum3A_348 = arith.constant dense<0.000000e+00> : vector<512xf32>
    %reduce_sum3A_349 = vector.multi_reduction <add>, %mul3A_347, %reduce_sum3A_348 [0] : vector<32x512xf32> to vector<512xf32>
    %broadcast_in_dim3A_350 = vector.shape_cast %reduce_sum3A_349 : vector<512xf32> to vector<1x512xf32>
    %mul3A_351 = arith.mulf %slice3A_51, %slice3A_45 : vector<32x512xf32>
    %reduce_sum3A_352 = arith.constant dense<0.000000e+00> : vector<512xf32>
    %reduce_sum3A_353 = vector.multi_reduction <add>, %mul3A_351, %reduce_sum3A_352 [0] : vector<32x512xf32> to vector<512xf32>
    %broadcast_in_dim3A_354 = vector.shape_cast %reduce_sum3A_353 : vector<512xf32> to vector<1x512xf32>
    %mul3A_355 = arith.mulf %slice3A_51, %slice3A_46 : vector<32x512xf32>
    %reduce_sum3A_356 = arith.constant dense<0.000000e+00> : vector<512xf32>
    %reduce_sum3A_357 = vector.multi_reduction <add>, %mul3A_355, %reduce_sum3A_356 [0] : vector<32x512xf32> to vector<512xf32>
    %broadcast_in_dim3A_358 = vector.shape_cast %reduce_sum3A_357 : vector<512xf32> to vector<1x512xf32>
    %mul3A_359 = arith.mulf %slice3A_51, %slice3A_47 : vector<32x512xf32>
    %reduce_sum3A_360 = arith.constant dense<0.000000e+00> : vector<512xf32>
    %reduce_sum3A_361 = vector.multi_reduction <add>, %mul3A_359, %reduce_sum3A_360 [0] : vector<32x512xf32> to vector<512xf32>
    %broadcast_in_dim3A_362 = vector.shape_cast %reduce_sum3A_361 : vector<512xf32> to vector<1x512xf32>
    %mul3A_363 = arith.mulf %slice3A_51, %slice3A_48 : vector<32x512xf32>
    %reduce_sum3A_364 = arith.constant dense<0.000000e+00> : vector<512xf32>
    %reduce_sum3A_365 = vector.multi_reduction <add>, %mul3A_363, %reduce_sum3A_364 [0] : vector<32x512xf32> to vector<512xf32>
    %broadcast_in_dim3A_366 = vector.shape_cast %reduce_sum3A_365 : vector<512xf32> to vector<1x512xf32>
    %mul3A_367 = arith.mulf %slice3A_51, %slice3A_49 : vector<32x512xf32>
    %reduce_sum3A_368 = arith.constant dense<0.000000e+00> : vector<512xf32>
    %reduce_sum3A_369 = vector.multi_reduction <add>, %mul3A_367, %reduce_sum3A_368 [0] : vector<32x512xf32> to vector<512xf32>
    %broadcast_in_dim3A_370 = vector.shape_cast %reduce_sum3A_369 : vector<512xf32> to vector<1x512xf32>
    %mul3A_371 = arith.mulf %slice3A_51, %slice3A_50 : vector<32x512xf32>
    %reduce_sum3A_372 = arith.constant dense<0.000000e+00> : vector<512xf32>
    %reduce_sum3A_373 = vector.multi_reduction <add>, %mul3A_371, %reduce_sum3A_372 [0] : vector<32x512xf32> to vector<512xf32>
    %broadcast_in_dim3A_374 = vector.shape_cast %reduce_sum3A_373 : vector<512xf32> to vector<1x512xf32>
    %mul3A_375 = arith.mulf %slice3A_52, %max3A_37 : vector<32x512xf32>
    %reduce_sum3A_376 = arith.constant dense<0.000000e+00> : vector<512xf32>
    %reduce_sum3A_377 = vector.multi_reduction <add>, %mul3A_375, %reduce_sum3A_376 [0] : vector<32x512xf32> to vector<512xf32>
    %broadcast_in_dim3A_378 = vector.shape_cast %reduce_sum3A_377 : vector<512xf32> to vector<1x512xf32>
    %mul3A_379 = arith.mulf %slice3A_52, %slice3A : vector<32x512xf32>
    %reduce_sum3A_380 = arith.constant dense<0.000000e+00> : vector<512xf32>
    %reduce_sum3A_381 = vector.multi_reduction <add>, %mul3A_379, %reduce_sum3A_380 [0] : vector<32x512xf32> to vector<512xf32>
    %broadcast_in_dim3A_382 = vector.shape_cast %reduce_sum3A_381 : vector<512xf32> to vector<1x512xf32>
    %mul3A_383 = arith.mulf %slice3A_52, %slice3A_41 : vector<32x512xf32>
    %reduce_sum3A_384 = arith.constant dense<0.000000e+00> : vector<512xf32>
    %reduce_sum3A_385 = vector.multi_reduction <add>, %mul3A_383, %reduce_sum3A_384 [0] : vector<32x512xf32> to vector<512xf32>
    %broadcast_in_dim3A_386 = vector.shape_cast %reduce_sum3A_385 : vector<512xf32> to vector<1x512xf32>
    %mul3A_387 = arith.mulf %slice3A_52, %slice3A_42 : vector<32x512xf32>
    %reduce_sum3A_388 = arith.constant dense<0.000000e+00> : vector<512xf32>
    %reduce_sum3A_389 = vector.multi_reduction <add>, %mul3A_387, %reduce_sum3A_388 [0] : vector<32x512xf32> to vector<512xf32>
    %broadcast_in_dim3A_390 = vector.shape_cast %reduce_sum3A_389 : vector<512xf32> to vector<1x512xf32>
    %mul3A_391 = arith.mulf %slice3A_52, %slice3A_43 : vector<32x512xf32>
    %reduce_sum3A_392 = arith.constant dense<0.000000e+00> : vector<512xf32>
    %reduce_sum3A_393 = vector.multi_reduction <add>, %mul3A_391, %reduce_sum3A_392 [0] : vector<32x512xf32> to vector<512xf32>
    %broadcast_in_dim3A_394 = vector.shape_cast %reduce_sum3A_393 : vector<512xf32> to vector<1x512xf32>
    %mul3A_395 = arith.mulf %slice3A_52, %slice3A_44 : vector<32x512xf32>
    %reduce_sum3A_396 = arith.constant dense<0.000000e+00> : vector<512xf32>
    %reduce_sum3A_397 = vector.multi_reduction <add>, %mul3A_395, %reduce_sum3A_396 [0] : vector<32x512xf32> to vector<512xf32>
    %broadcast_in_dim3A_398 = vector.shape_cast %reduce_sum3A_397 : vector<512xf32> to vector<1x512xf32>
    %mul3A_399 = arith.mulf %slice3A_52, %slice3A_45 : vector<32x512xf32>
    %reduce_sum3A_400 = arith.constant dense<0.000000e+00> : vector<512xf32>
    %reduce_sum3A_401 = vector.multi_reduction <add>, %mul3A_399, %reduce_sum3A_400 [0] : vector<32x512xf32> to vector<512xf32>
    %broadcast_in_dim3A_402 = vector.shape_cast %reduce_sum3A_401 : vector<512xf32> to vector<1x512xf32>
    %mul3A_403 = arith.mulf %slice3A_52, %slice3A_46 : vector<32x512xf32>
    %reduce_sum3A_404 = arith.constant dense<0.000000e+00> : vector<512xf32>
    %reduce_sum3A_405 = vector.multi_reduction <add>, %mul3A_403, %reduce_sum3A_404 [0] : vector<32x512xf32> to vector<512xf32>
    %broadcast_in_dim3A_406 = vector.shape_cast %reduce_sum3A_405 : vector<512xf32> to vector<1x512xf32>
    %mul3A_407 = arith.mulf %slice3A_52, %slice3A_47 : vector<32x512xf32>
    %reduce_sum3A_408 = arith.constant dense<0.000000e+00> : vector<512xf32>
    %reduce_sum3A_409 = vector.multi_reduction <add>, %mul3A_407, %reduce_sum3A_408 [0] : vector<32x512xf32> to vector<512xf32>
    %broadcast_in_dim3A_410 = vector.shape_cast %reduce_sum3A_409 : vector<512xf32> to vector<1x512xf32>
    %mul3A_411 = arith.mulf %slice3A_52, %slice3A_48 : vector<32x512xf32>
    %reduce_sum3A_412 = arith.constant dense<0.000000e+00> : vector<512xf32>
    %reduce_sum3A_413 = vector.multi_reduction <add>, %mul3A_411, %reduce_sum3A_412 [0] : vector<32x512xf32> to vector<512xf32>
    %broadcast_in_dim3A_414 = vector.shape_cast %reduce_sum3A_413 : vector<512xf32> to vector<1x512xf32>
    %mul3A_415 = arith.mulf %slice3A_52, %slice3A_49 : vector<32x512xf32>
    %reduce_sum3A_416 = arith.constant dense<0.000000e+00> : vector<512xf32>
    %reduce_sum3A_417 = vector.multi_reduction <add>, %mul3A_415, %reduce_sum3A_416 [0] : vector<32x512xf32> to vector<512xf32>
    %broadcast_in_dim3A_418 = vector.shape_cast %reduce_sum3A_417 : vector<512xf32> to vector<1x512xf32>
    %mul3A_419 = arith.mulf %slice3A_52, %slice3A_50 : vector<32x512xf32>
    %reduce_sum3A_420 = arith.constant dense<0.000000e+00> : vector<512xf32>
    %reduce_sum3A_421 = vector.multi_reduction <add>, %mul3A_419, %reduce_sum3A_420 [0] : vector<32x512xf32> to vector<512xf32>
    %broadcast_in_dim3A_422 = vector.shape_cast %reduce_sum3A_421 : vector<512xf32> to vector<1x512xf32>
    %mul3A_423 = arith.mulf %slice3A_52, %slice3A_51 : vector<32x512xf32>
    %reduce_sum3A_424 = arith.constant dense<0.000000e+00> : vector<512xf32>
    %reduce_sum3A_425 = vector.multi_reduction <add>, %mul3A_423, %reduce_sum3A_424 [0] : vector<32x512xf32> to vector<512xf32>
    %broadcast_in_dim3A_426 = vector.shape_cast %reduce_sum3A_425 : vector<512xf32> to vector<1x512xf32>
    %mul3A_427 = arith.mulf %slice3A_53, %max3A_37 : vector<32x512xf32>
    %reduce_sum3A_428 = arith.constant dense<0.000000e+00> : vector<512xf32>
    %reduce_sum3A_429 = vector.multi_reduction <add>, %mul3A_427, %reduce_sum3A_428 [0] : vector<32x512xf32> to vector<512xf32>
    %broadcast_in_dim3A_430 = vector.shape_cast %reduce_sum3A_429 : vector<512xf32> to vector<1x512xf32>
    %mul3A_431 = arith.mulf %slice3A_53, %slice3A : vector<32x512xf32>
    %reduce_sum3A_432 = arith.constant dense<0.000000e+00> : vector<512xf32>
    %reduce_sum3A_433 = vector.multi_reduction <add>, %mul3A_431, %reduce_sum3A_432 [0] : vector<32x512xf32> to vector<512xf32>
    %broadcast_in_dim3A_434 = vector.shape_cast %reduce_sum3A_433 : vector<512xf32> to vector<1x512xf32>
    %mul3A_435 = arith.mulf %slice3A_53, %slice3A_41 : vector<32x512xf32>
    %reduce_sum3A_436 = arith.constant dense<0.000000e+00> : vector<512xf32>
    %reduce_sum3A_437 = vector.multi_reduction <add>, %mul3A_435, %reduce_sum3A_436 [0] : vector<32x512xf32> to vector<512xf32>
    %broadcast_in_dim3A_438 = vector.shape_cast %reduce_sum3A_437 : vector<512xf32> to vector<1x512xf32>
    %mul3A_439 = arith.mulf %slice3A_53, %slice3A_42 : vector<32x512xf32>
    %reduce_sum3A_440 = arith.constant dense<0.000000e+00> : vector<512xf32>
    %reduce_sum3A_441 = vector.multi_reduction <add>, %mul3A_439, %reduce_sum3A_440 [0] : vector<32x512xf32> to vector<512xf32>
    %broadcast_in_dim3A_442 = vector.shape_cast %reduce_sum3A_441 : vector<512xf32> to vector<1x512xf32>
    %mul3A_443 = arith.mulf %slice3A_53, %slice3A_43 : vector<32x512xf32>
    %reduce_sum3A_444 = arith.constant dense<0.000000e+00> : vector<512xf32>
    %reduce_sum3A_445 = vector.multi_reduction <add>, %mul3A_443, %reduce_sum3A_444 [0] : vector<32x512xf32> to vector<512xf32>
    %broadcast_in_dim3A_446 = vector.shape_cast %reduce_sum3A_445 : vector<512xf32> to vector<1x512xf32>
    %mul3A_447 = arith.mulf %slice3A_53, %slice3A_44 : vector<32x512xf32>
    %reduce_sum3A_448 = arith.constant dense<0.000000e+00> : vector<512xf32>
    %reduce_sum3A_449 = vector.multi_reduction <add>, %mul3A_447, %reduce_sum3A_448 [0] : vector<32x512xf32> to vector<512xf32>
    %broadcast_in_dim3A_450 = vector.shape_cast %reduce_sum3A_449 : vector<512xf32> to vector<1x512xf32>
    %mul3A_451 = arith.mulf %slice3A_53, %slice3A_45 : vector<32x512xf32>
    %reduce_sum3A_452 = arith.constant dense<0.000000e+00> : vector<512xf32>
    %reduce_sum3A_453 = vector.multi_reduction <add>, %mul3A_451, %reduce_sum3A_452 [0] : vector<32x512xf32> to vector<512xf32>
    %broadcast_in_dim3A_454 = vector.shape_cast %reduce_sum3A_453 : vector<512xf32> to vector<1x512xf32>
    %mul3A_455 = arith.mulf %slice3A_53, %slice3A_46 : vector<32x512xf32>
    %reduce_sum3A_456 = arith.constant dense<0.000000e+00> : vector<512xf32>
    %reduce_sum3A_457 = vector.multi_reduction <add>, %mul3A_455, %reduce_sum3A_456 [0] : vector<32x512xf32> to vector<512xf32>
    %broadcast_in_dim3A_458 = vector.shape_cast %reduce_sum3A_457 : vector<512xf32> to vector<1x512xf32>
    %mul3A_459 = arith.mulf %slice3A_53, %slice3A_47 : vector<32x512xf32>
    %reduce_sum3A_460 = arith.constant dense<0.000000e+00> : vector<512xf32>
    %reduce_sum3A_461 = vector.multi_reduction <add>, %mul3A_459, %reduce_sum3A_460 [0] : vector<32x512xf32> to vector<512xf32>
    %broadcast_in_dim3A_462 = vector.shape_cast %reduce_sum3A_461 : vector<512xf32> to vector<1x512xf32>
    %mul3A_463 = arith.mulf %slice3A_53, %slice3A_48 : vector<32x512xf32>
    %reduce_sum3A_464 = arith.constant dense<0.000000e+00> : vector<512xf32>
    %reduce_sum3A_465 = vector.multi_reduction <add>, %mul3A_463, %reduce_sum3A_464 [0] : vector<32x512xf32> to vector<512xf32>
    %broadcast_in_dim3A_466 = vector.shape_cast %reduce_sum3A_465 : vector<512xf32> to vector<1x512xf32>
    %mul3A_467 = arith.mulf %slice3A_53, %slice3A_49 : vector<32x512xf32>
    %reduce_sum3A_468 = arith.constant dense<0.000000e+00> : vector<512xf32>
    %reduce_sum3A_469 = vector.multi_reduction <add>, %mul3A_467, %reduce_sum3A_468 [0] : vector<32x512xf32> to vector<512xf32>
    %broadcast_in_dim3A_470 = vector.shape_cast %reduce_sum3A_469 : vector<512xf32> to vector<1x512xf32>
    %mul3A_471 = arith.mulf %slice3A_53, %slice3A_50 : vector<32x512xf32>
    %reduce_sum3A_472 = arith.constant dense<0.000000e+00> : vector<512xf32>
    %reduce_sum3A_473 = vector.multi_reduction <add>, %mul3A_471, %reduce_sum3A_472 [0] : vector<32x512xf32> to vector<512xf32>
    %broadcast_in_dim3A_474 = vector.shape_cast %reduce_sum3A_473 : vector<512xf32> to vector<1x512xf32>
    %mul3A_475 = arith.mulf %slice3A_53, %slice3A_51 : vector<32x512xf32>
    %reduce_sum3A_476 = arith.constant dense<0.000000e+00> : vector<512xf32>
    %reduce_sum3A_477 = vector.multi_reduction <add>, %mul3A_475, %reduce_sum3A_476 [0] : vector<32x512xf32> to vector<512xf32>
    %broadcast_in_dim3A_478 = vector.shape_cast %reduce_sum3A_477 : vector<512xf32> to vector<1x512xf32>
    %mul3A_479 = arith.mulf %slice3A_53, %slice3A_52 : vector<32x512xf32>
    %reduce_sum3A_480 = arith.constant dense<0.000000e+00> : vector<512xf32>
    %reduce_sum3A_481 = vector.multi_reduction <add>, %mul3A_479, %reduce_sum3A_480 [0] : vector<32x512xf32> to vector<512xf32>
    %broadcast_in_dim3A_482 = vector.shape_cast %reduce_sum3A_481 : vector<512xf32> to vector<1x512xf32>
    %mul3A_483 = arith.mulf %slice3A_54, %max3A_37 : vector<32x512xf32>
    %reduce_sum3A_484 = arith.constant dense<0.000000e+00> : vector<512xf32>
    %reduce_sum3A_485 = vector.multi_reduction <add>, %mul3A_483, %reduce_sum3A_484 [0] : vector<32x512xf32> to vector<512xf32>
    %broadcast_in_dim3A_486 = vector.shape_cast %reduce_sum3A_485 : vector<512xf32> to vector<1x512xf32>
    %mul3A_487 = arith.mulf %slice3A_54, %slice3A : vector<32x512xf32>
    %reduce_sum3A_488 = arith.constant dense<0.000000e+00> : vector<512xf32>
    %reduce_sum3A_489 = vector.multi_reduction <add>, %mul3A_487, %reduce_sum3A_488 [0] : vector<32x512xf32> to vector<512xf32>
    %broadcast_in_dim3A_490 = vector.shape_cast %reduce_sum3A_489 : vector<512xf32> to vector<1x512xf32>
    %mul3A_491 = arith.mulf %slice3A_54, %slice3A_41 : vector<32x512xf32>
    %reduce_sum3A_492 = arith.constant dense<0.000000e+00> : vector<512xf32>
    %reduce_sum3A_493 = vector.multi_reduction <add>, %mul3A_491, %reduce_sum3A_492 [0] : vector<32x512xf32> to vector<512xf32>
    %broadcast_in_dim3A_494 = vector.shape_cast %reduce_sum3A_493 : vector<512xf32> to vector<1x512xf32>
    %mul3A_495 = arith.mulf %slice3A_54, %slice3A_42 : vector<32x512xf32>
    %reduce_sum3A_496 = arith.constant dense<0.000000e+00> : vector<512xf32>
    %reduce_sum3A_497 = vector.multi_reduction <add>, %mul3A_495, %reduce_sum3A_496 [0] : vector<32x512xf32> to vector<512xf32>
    %broadcast_in_dim3A_498 = vector.shape_cast %reduce_sum3A_497 : vector<512xf32> to vector<1x512xf32>
    %mul3A_499 = arith.mulf %slice3A_54, %slice3A_43 : vector<32x512xf32>
    %reduce_sum3A_500 = arith.constant dense<0.000000e+00> : vector<512xf32>
    %reduce_sum3A_501 = vector.multi_reduction <add>, %mul3A_499, %reduce_sum3A_500 [0] : vector<32x512xf32> to vector<512xf32>
    %broadcast_in_dim3A_502 = vector.shape_cast %reduce_sum3A_501 : vector<512xf32> to vector<1x512xf32>
    %mul3A_503 = arith.mulf %slice3A_54, %slice3A_44 : vector<32x512xf32>
    %reduce_sum3A_504 = arith.constant dense<0.000000e+00> : vector<512xf32>
    %reduce_sum3A_505 = vector.multi_reduction <add>, %mul3A_503, %reduce_sum3A_504 [0] : vector<32x512xf32> to vector<512xf32>
    %broadcast_in_dim3A_506 = vector.shape_cast %reduce_sum3A_505 : vector<512xf32> to vector<1x512xf32>
    %mul3A_507 = arith.mulf %slice3A_54, %slice3A_45 : vector<32x512xf32>
    %reduce_sum3A_508 = arith.constant dense<0.000000e+00> : vector<512xf32>
    %reduce_sum3A_509 = vector.multi_reduction <add>, %mul3A_507, %reduce_sum3A_508 [0] : vector<32x512xf32> to vector<512xf32>
    %broadcast_in_dim3A_510 = vector.shape_cast %reduce_sum3A_509 : vector<512xf32> to vector<1x512xf32>
    %mul3A_511 = arith.mulf %slice3A_54, %slice3A_46 : vector<32x512xf32>
    %reduce_sum3A_512 = arith.constant dense<0.000000e+00> : vector<512xf32>
    %reduce_sum3A_513 = vector.multi_reduction <add>, %mul3A_511, %reduce_sum3A_512 [0] : vector<32x512xf32> to vector<512xf32>
    %broadcast_in_dim3A_514 = vector.shape_cast %reduce_sum3A_513 : vector<512xf32> to vector<1x512xf32>
    %mul3A_515 = arith.mulf %slice3A_54, %slice3A_47 : vector<32x512xf32>
    %reduce_sum3A_516 = arith.constant dense<0.000000e+00> : vector<512xf32>
    %reduce_sum3A_517 = vector.multi_reduction <add>, %mul3A_515, %reduce_sum3A_516 [0] : vector<32x512xf32> to vector<512xf32>
    %broadcast_in_dim3A_518 = vector.shape_cast %reduce_sum3A_517 : vector<512xf32> to vector<1x512xf32>
    %mul3A_519 = arith.mulf %slice3A_54, %slice3A_48 : vector<32x512xf32>
    %reduce_sum3A_520 = arith.constant dense<0.000000e+00> : vector<512xf32>
    %reduce_sum3A_521 = vector.multi_reduction <add>, %mul3A_519, %reduce_sum3A_520 [0] : vector<32x512xf32> to vector<512xf32>
    %broadcast_in_dim3A_522 = vector.shape_cast %reduce_sum3A_521 : vector<512xf32> to vector<1x512xf32>
    %mul3A_523 = arith.mulf %slice3A_54, %slice3A_49 : vector<32x512xf32>
    %reduce_sum3A_524 = arith.constant dense<0.000000e+00> : vector<512xf32>
    %reduce_sum3A_525 = vector.multi_reduction <add>, %mul3A_523, %reduce_sum3A_524 [0] : vector<32x512xf32> to vector<512xf32>
    %broadcast_in_dim3A_526 = vector.shape_cast %reduce_sum3A_525 : vector<512xf32> to vector<1x512xf32>
    %mul3A_527 = arith.mulf %slice3A_54, %slice3A_50 : vector<32x512xf32>
    %reduce_sum3A_528 = arith.constant dense<0.000000e+00> : vector<512xf32>
    %reduce_sum3A_529 = vector.multi_reduction <add>, %mul3A_527, %reduce_sum3A_528 [0] : vector<32x512xf32> to vector<512xf32>
    %broadcast_in_dim3A_530 = vector.shape_cast %reduce_sum3A_529 : vector<512xf32> to vector<1x512xf32>
    %mul3A_531 = arith.mulf %slice3A_54, %slice3A_51 : vector<32x512xf32>
    %reduce_sum3A_532 = arith.constant dense<0.000000e+00> : vector<512xf32>
    %reduce_sum3A_533 = vector.multi_reduction <add>, %mul3A_531, %reduce_sum3A_532 [0] : vector<32x512xf32> to vector<512xf32>
    %broadcast_in_dim3A_534 = vector.shape_cast %reduce_sum3A_533 : vector<512xf32> to vector<1x512xf32>
    %mul3A_535 = arith.mulf %slice3A_54, %slice3A_52 : vector<32x512xf32>
    %reduce_sum3A_536 = arith.constant dense<0.000000e+00> : vector<512xf32>
    %reduce_sum3A_537 = vector.multi_reduction <add>, %mul3A_535, %reduce_sum3A_536 [0] : vector<32x512xf32> to vector<512xf32>
    %broadcast_in_dim3A_538 = vector.shape_cast %reduce_sum3A_537 : vector<512xf32> to vector<1x512xf32>
    %mul3A_539 = arith.mulf %slice3A_54, %slice3A_53 : vector<32x512xf32>
    %reduce_sum3A_540 = arith.constant dense<0.000000e+00> : vector<512xf32>
    %reduce_sum3A_541 = vector.multi_reduction <add>, %mul3A_539, %reduce_sum3A_540 [0] : vector<32x512xf32> to vector<512xf32>
    %broadcast_in_dim3A_542 = vector.shape_cast %reduce_sum3A_541 : vector<512xf32> to vector<1x512xf32>
    %mul3A_543 = arith.mulf %slice3A_55, %max3A_37 : vector<32x512xf32>
    %reduce_sum3A_544 = arith.constant dense<0.000000e+00> : vector<512xf32>
    %reduce_sum3A_545 = vector.multi_reduction <add>, %mul3A_543, %reduce_sum3A_544 [0] : vector<32x512xf32> to vector<512xf32>
    %broadcast_in_dim3A_546 = vector.shape_cast %reduce_sum3A_545 : vector<512xf32> to vector<1x512xf32>
    %mul3A_547 = arith.mulf %slice3A_55, %slice3A : vector<32x512xf32>
    %reduce_sum3A_548 = arith.constant dense<0.000000e+00> : vector<512xf32>
    %reduce_sum3A_549 = vector.multi_reduction <add>, %mul3A_547, %reduce_sum3A_548 [0] : vector<32x512xf32> to vector<512xf32>
    %broadcast_in_dim3A_550 = vector.shape_cast %reduce_sum3A_549 : vector<512xf32> to vector<1x512xf32>
    %mul3A_551 = arith.mulf %slice3A_55, %slice3A_41 : vector<32x512xf32>
    %reduce_sum3A_552 = arith.constant dense<0.000000e+00> : vector<512xf32>
    %reduce_sum3A_553 = vector.multi_reduction <add>, %mul3A_551, %reduce_sum3A_552 [0] : vector<32x512xf32> to vector<512xf32>
    %broadcast_in_dim3A_554 = vector.shape_cast %reduce_sum3A_553 : vector<512xf32> to vector<1x512xf32>
    %mul3A_555 = arith.mulf %slice3A_55, %slice3A_42 : vector<32x512xf32>
    %reduce_sum3A_556 = arith.constant dense<0.000000e+00> : vector<512xf32>
    %reduce_sum3A_557 = vector.multi_reduction <add>, %mul3A_555, %reduce_sum3A_556 [0] : vector<32x512xf32> to vector<512xf32>
    %broadcast_in_dim3A_558 = vector.shape_cast %reduce_sum3A_557 : vector<512xf32> to vector<1x512xf32>
    %mul3A_559 = arith.mulf %slice3A_55, %slice3A_43 : vector<32x512xf32>
    %reduce_sum3A_560 = arith.constant dense<0.000000e+00> : vector<512xf32>
    %reduce_sum3A_561 = vector.multi_reduction <add>, %mul3A_559, %reduce_sum3A_560 [0] : vector<32x512xf32> to vector<512xf32>
    %broadcast_in_dim3A_562 = vector.shape_cast %reduce_sum3A_561 : vector<512xf32> to vector<1x512xf32>
    %mul3A_563 = arith.mulf %slice3A_55, %slice3A_44 : vector<32x512xf32>
    %reduce_sum3A_564 = arith.constant dense<0.000000e+00> : vector<512xf32>
    %reduce_sum3A_565 = vector.multi_reduction <add>, %mul3A_563, %reduce_sum3A_564 [0] : vector<32x512xf32> to vector<512xf32>
    %broadcast_in_dim3A_566 = vector.shape_cast %reduce_sum3A_565 : vector<512xf32> to vector<1x512xf32>
    %mul3A_567 = arith.mulf %slice3A_55, %slice3A_45 : vector<32x512xf32>
    %reduce_sum3A_568 = arith.constant dense<0.000000e+00> : vector<512xf32>
    %reduce_sum3A_569 = vector.multi_reduction <add>, %mul3A_567, %reduce_sum3A_568 [0] : vector<32x512xf32> to vector<512xf32>
    %broadcast_in_dim3A_570 = vector.shape_cast %reduce_sum3A_569 : vector<512xf32> to vector<1x512xf32>
    %mul3A_571 = arith.mulf %slice3A_55, %slice3A_46 : vector<32x512xf32>
    %reduce_sum3A_572 = arith.constant dense<0.000000e+00> : vector<512xf32>
    %reduce_sum3A_573 = vector.multi_reduction <add>, %mul3A_571, %reduce_sum3A_572 [0] : vector<32x512xf32> to vector<512xf32>
    %broadcast_in_dim3A_574 = vector.shape_cast %reduce_sum3A_573 : vector<512xf32> to vector<1x512xf32>
    %mul3A_575 = arith.mulf %slice3A_55, %slice3A_47 : vector<32x512xf32>
    %reduce_sum3A_576 = arith.constant dense<0.000000e+00> : vector<512xf32>
    %reduce_sum3A_577 = vector.multi_reduction <add>, %mul3A_575, %reduce_sum3A_576 [0] : vector<32x512xf32> to vector<512xf32>
    %broadcast_in_dim3A_578 = vector.shape_cast %reduce_sum3A_577 : vector<512xf32> to vector<1x512xf32>
    %mul3A_579 = arith.mulf %slice3A_55, %slice3A_48 : vector<32x512xf32>
    %reduce_sum3A_580 = arith.constant dense<0.000000e+00> : vector<512xf32>
    %reduce_sum3A_581 = vector.multi_reduction <add>, %mul3A_579, %reduce_sum3A_580 [0] : vector<32x512xf32> to vector<512xf32>
    %broadcast_in_dim3A_582 = vector.shape_cast %reduce_sum3A_581 : vector<512xf32> to vector<1x512xf32>
    %mul3A_583 = arith.mulf %slice3A_55, %slice3A_49 : vector<32x512xf32>
    %reduce_sum3A_584 = arith.constant dense<0.000000e+00> : vector<512xf32>
    %reduce_sum3A_585 = vector.multi_reduction <add>, %mul3A_583, %reduce_sum3A_584 [0] : vector<32x512xf32> to vector<512xf32>
    %broadcast_in_dim3A_586 = vector.shape_cast %reduce_sum3A_585 : vector<512xf32> to vector<1x512xf32>
    %mul3A_587 = arith.mulf %slice3A_55, %slice3A_50 : vector<32x512xf32>
    %reduce_sum3A_588 = arith.constant dense<0.000000e+00> : vector<512xf32>
    %reduce_sum3A_589 = vector.multi_reduction <add>, %mul3A_587, %reduce_sum3A_588 [0] : vector<32x512xf32> to vector<512xf32>
    %broadcast_in_dim3A_590 = vector.shape_cast %reduce_sum3A_589 : vector<512xf32> to vector<1x512xf32>
    %mul3A_591 = arith.mulf %slice3A_55, %slice3A_51 : vector<32x512xf32>
    %reduce_sum3A_592 = arith.constant dense<0.000000e+00> : vector<512xf32>
    %reduce_sum3A_593 = vector.multi_reduction <add>, %mul3A_591, %reduce_sum3A_592 [0] : vector<32x512xf32> to vector<512xf32>
    %broadcast_in_dim3A_594 = vector.shape_cast %reduce_sum3A_593 : vector<512xf32> to vector<1x512xf32>
    %mul3A_595 = arith.mulf %slice3A_55, %slice3A_52 : vector<32x512xf32>
    %reduce_sum3A_596 = arith.constant dense<0.000000e+00> : vector<512xf32>
    %reduce_sum3A_597 = vector.multi_reduction <add>, %mul3A_595, %reduce_sum3A_596 [0] : vector<32x512xf32> to vector<512xf32>
    %broadcast_in_dim3A_598 = vector.shape_cast %reduce_sum3A_597 : vector<512xf32> to vector<1x512xf32>
    %mul3A_599 = arith.mulf %slice3A_55, %slice3A_53 : vector<32x512xf32>
    %reduce_sum3A_600 = arith.constant dense<0.000000e+00> : vector<512xf32>
    %reduce_sum3A_601 = vector.multi_reduction <add>, %mul3A_599, %reduce_sum3A_600 [0] : vector<32x512xf32> to vector<512xf32>
    %broadcast_in_dim3A_602 = vector.shape_cast %reduce_sum3A_601 : vector<512xf32> to vector<1x512xf32>
    %mul3A_603 = arith.mulf %slice3A_55, %slice3A_54 : vector<32x512xf32>
    %reduce_sum3A_604 = arith.constant dense<0.000000e+00> : vector<512xf32>
    %reduce_sum3A_605 = vector.multi_reduction <add>, %mul3A_603, %reduce_sum3A_604 [0] : vector<32x512xf32> to vector<512xf32>
    %broadcast_in_dim3A_606 = vector.shape_cast %reduce_sum3A_605 : vector<512xf32> to vector<1x512xf32>
    %mul3A_607 = arith.mulf %slice3A_56, %max3A_37 : vector<32x512xf32>
    %reduce_sum3A_608 = arith.constant dense<0.000000e+00> : vector<512xf32>
    %reduce_sum3A_609 = vector.multi_reduction <add>, %mul3A_607, %reduce_sum3A_608 [0] : vector<32x512xf32> to vector<512xf32>
    %broadcast_in_dim3A_610 = vector.shape_cast %reduce_sum3A_609 : vector<512xf32> to vector<1x512xf32>
    %mul3A_611 = arith.mulf %slice3A_56, %slice3A : vector<32x512xf32>
    %reduce_sum3A_612 = arith.constant dense<0.000000e+00> : vector<512xf32>
    %reduce_sum3A_613 = vector.multi_reduction <add>, %mul3A_611, %reduce_sum3A_612 [0] : vector<32x512xf32> to vector<512xf32>
    %broadcast_in_dim3A_614 = vector.shape_cast %reduce_sum3A_613 : vector<512xf32> to vector<1x512xf32>
    %mul3A_615 = arith.mulf %slice3A_56, %slice3A_41 : vector<32x512xf32>
    %reduce_sum3A_616 = arith.constant dense<0.000000e+00> : vector<512xf32>
    %reduce_sum3A_617 = vector.multi_reduction <add>, %mul3A_615, %reduce_sum3A_616 [0] : vector<32x512xf32> to vector<512xf32>
    %broadcast_in_dim3A_618 = vector.shape_cast %reduce_sum3A_617 : vector<512xf32> to vector<1x512xf32>
    %mul3A_619 = arith.mulf %slice3A_56, %slice3A_42 : vector<32x512xf32>
    %reduce_sum3A_620 = arith.constant dense<0.000000e+00> : vector<512xf32>
    %reduce_sum3A_621 = vector.multi_reduction <add>, %mul3A_619, %reduce_sum3A_620 [0] : vector<32x512xf32> to vector<512xf32>
    %broadcast_in_dim3A_622 = vector.shape_cast %reduce_sum3A_621 : vector<512xf32> to vector<1x512xf32>
    %mul3A_623 = arith.mulf %slice3A_56, %slice3A_43 : vector<32x512xf32>
    %reduce_sum3A_624 = arith.constant dense<0.000000e+00> : vector<512xf32>
    %reduce_sum3A_625 = vector.multi_reduction <add>, %mul3A_623, %reduce_sum3A_624 [0] : vector<32x512xf32> to vector<512xf32>
    %broadcast_in_dim3A_626 = vector.shape_cast %reduce_sum3A_625 : vector<512xf32> to vector<1x512xf32>
    %mul3A_627 = arith.mulf %slice3A_56, %slice3A_44 : vector<32x512xf32>
    %reduce_sum3A_628 = arith.constant dense<0.000000e+00> : vector<512xf32>
    %reduce_sum3A_629 = vector.multi_reduction <add>, %mul3A_627, %reduce_sum3A_628 [0] : vector<32x512xf32> to vector<512xf32>
    %broadcast_in_dim3A_630 = vector.shape_cast %reduce_sum3A_629 : vector<512xf32> to vector<1x512xf32>
    %mul3A_631 = arith.mulf %slice3A_56, %slice3A_45 : vector<32x512xf32>
    %reduce_sum3A_632 = arith.constant dense<0.000000e+00> : vector<512xf32>
    %reduce_sum3A_633 = vector.multi_reduction <add>, %mul3A_631, %reduce_sum3A_632 [0] : vector<32x512xf32> to vector<512xf32>
    %broadcast_in_dim3A_634 = vector.shape_cast %reduce_sum3A_633 : vector<512xf32> to vector<1x512xf32>
    %mul3A_635 = arith.mulf %slice3A_56, %slice3A_46 : vector<32x512xf32>
    %reduce_sum3A_636 = arith.constant dense<0.000000e+00> : vector<512xf32>
    %reduce_sum3A_637 = vector.multi_reduction <add>, %mul3A_635, %reduce_sum3A_636 [0] : vector<32x512xf32> to vector<512xf32>
    %broadcast_in_dim3A_638 = vector.shape_cast %reduce_sum3A_637 : vector<512xf32> to vector<1x512xf32>
    %mul3A_639 = arith.mulf %slice3A_56, %slice3A_47 : vector<32x512xf32>
    %reduce_sum3A_640 = arith.constant dense<0.000000e+00> : vector<512xf32>
    %reduce_sum3A_641 = vector.multi_reduction <add>, %mul3A_639, %reduce_sum3A_640 [0] : vector<32x512xf32> to vector<512xf32>
    %broadcast_in_dim3A_642 = vector.shape_cast %reduce_sum3A_641 : vector<512xf32> to vector<1x512xf32>
    %mul3A_643 = arith.mulf %slice3A_56, %slice3A_48 : vector<32x512xf32>
    %reduce_sum3A_644 = arith.constant dense<0.000000e+00> : vector<512xf32>
    %reduce_sum3A_645 = vector.multi_reduction <add>, %mul3A_643, %reduce_sum3A_644 [0] : vector<32x512xf32> to vector<512xf32>
    %broadcast_in_dim3A_646 = vector.shape_cast %reduce_sum3A_645 : vector<512xf32> to vector<1x512xf32>
    %mul3A_647 = arith.mulf %slice3A_56, %slice3A_49 : vector<32x512xf32>
    %reduce_sum3A_648 = arith.constant dense<0.000000e+00> : vector<512xf32>
    %reduce_sum3A_649 = vector.multi_reduction <add>, %mul3A_647, %reduce_sum3A_648 [0] : vector<32x512xf32> to vector<512xf32>
    %broadcast_in_dim3A_650 = vector.shape_cast %reduce_sum3A_649 : vector<512xf32> to vector<1x512xf32>
    %mul3A_651 = arith.mulf %slice3A_56, %slice3A_50 : vector<32x512xf32>
    %reduce_sum3A_652 = arith.constant dense<0.000000e+00> : vector<512xf32>
    %reduce_sum3A_653 = vector.multi_reduction <add>, %mul3A_651, %reduce_sum3A_652 [0] : vector<32x512xf32> to vector<512xf32>
    %broadcast_in_dim3A_654 = vector.shape_cast %reduce_sum3A_653 : vector<512xf32> to vector<1x512xf32>
    %mul3A_655 = arith.mulf %slice3A_56, %slice3A_51 : vector<32x512xf32>
    %reduce_sum3A_656 = arith.constant dense<0.000000e+00> : vector<512xf32>
    %reduce_sum3A_657 = vector.multi_reduction <add>, %mul3A_655, %reduce_sum3A_656 [0] : vector<32x512xf32> to vector<512xf32>
    %broadcast_in_dim3A_658 = vector.shape_cast %reduce_sum3A_657 : vector<512xf32> to vector<1x512xf32>
    %mul3A_659 = arith.mulf %slice3A_56, %slice3A_52 : vector<32x512xf32>
    %reduce_sum3A_660 = arith.constant dense<0.000000e+00> : vector<512xf32>
    %reduce_sum3A_661 = vector.multi_reduction <add>, %mul3A_659, %reduce_sum3A_660 [0] : vector<32x512xf32> to vector<512xf32>
    %broadcast_in_dim3A_662 = vector.shape_cast %reduce_sum3A_661 : vector<512xf32> to vector<1x512xf32>
    %mul3A_663 = arith.mulf %slice3A_56, %slice3A_53 : vector<32x512xf32>
    %reduce_sum3A_664 = arith.constant dense<0.000000e+00> : vector<512xf32>
    %reduce_sum3A_665 = vector.multi_reduction <add>, %mul3A_663, %reduce_sum3A_664 [0] : vector<32x512xf32> to vector<512xf32>
    %broadcast_in_dim3A_666 = vector.shape_cast %reduce_sum3A_665 : vector<512xf32> to vector<1x512xf32>
    %mul3A_667 = arith.mulf %slice3A_56, %slice3A_54 : vector<32x512xf32>
    %reduce_sum3A_668 = arith.constant dense<0.000000e+00> : vector<512xf32>
    %reduce_sum3A_669 = vector.multi_reduction <add>, %mul3A_667, %reduce_sum3A_668 [0] : vector<32x512xf32> to vector<512xf32>
    %broadcast_in_dim3A_670 = vector.shape_cast %reduce_sum3A_669 : vector<512xf32> to vector<1x512xf32>
    %mul3A_671 = arith.mulf %slice3A_56, %slice3A_55 : vector<32x512xf32>
    %reduce_sum3A_672 = arith.constant dense<0.000000e+00> : vector<512xf32>
    %reduce_sum3A_673 = vector.multi_reduction <add>, %mul3A_671, %reduce_sum3A_672 [0] : vector<32x512xf32> to vector<512xf32>
    %broadcast_in_dim3A_674 = vector.shape_cast %reduce_sum3A_673 : vector<512xf32> to vector<1x512xf32>
    %mul3A_675 = arith.mulf %slice3A_57, %max3A_37 : vector<32x512xf32>
    %reduce_sum3A_676 = arith.constant dense<0.000000e+00> : vector<512xf32>
    %reduce_sum3A_677 = vector.multi_reduction <add>, %mul3A_675, %reduce_sum3A_676 [0] : vector<32x512xf32> to vector<512xf32>
    %broadcast_in_dim3A_678 = vector.shape_cast %reduce_sum3A_677 : vector<512xf32> to vector<1x512xf32>
    %mul3A_679 = arith.mulf %slice3A_57, %slice3A : vector<32x512xf32>
    %reduce_sum3A_680 = arith.constant dense<0.000000e+00> : vector<512xf32>
    %reduce_sum3A_681 = vector.multi_reduction <add>, %mul3A_679, %reduce_sum3A_680 [0] : vector<32x512xf32> to vector<512xf32>
    %broadcast_in_dim3A_682 = vector.shape_cast %reduce_sum3A_681 : vector<512xf32> to vector<1x512xf32>
    %mul3A_683 = arith.mulf %slice3A_57, %slice3A_41 : vector<32x512xf32>
    %reduce_sum3A_684 = arith.constant dense<0.000000e+00> : vector<512xf32>
    %reduce_sum3A_685 = vector.multi_reduction <add>, %mul3A_683, %reduce_sum3A_684 [0] : vector<32x512xf32> to vector<512xf32>
    %broadcast_in_dim3A_686 = vector.shape_cast %reduce_sum3A_685 : vector<512xf32> to vector<1x512xf32>
    %mul3A_687 = arith.mulf %slice3A_57, %slice3A_42 : vector<32x512xf32>
    %reduce_sum3A_688 = arith.constant dense<0.000000e+00> : vector<512xf32>
    %reduce_sum3A_689 = vector.multi_reduction <add>, %mul3A_687, %reduce_sum3A_688 [0] : vector<32x512xf32> to vector<512xf32>
    %broadcast_in_dim3A_690 = vector.shape_cast %reduce_sum3A_689 : vector<512xf32> to vector<1x512xf32>
    %mul3A_691 = arith.mulf %slice3A_57, %slice3A_43 : vector<32x512xf32>
    %reduce_sum3A_692 = arith.constant dense<0.000000e+00> : vector<512xf32>
    %reduce_sum3A_693 = vector.multi_reduction <add>, %mul3A_691, %reduce_sum3A_692 [0] : vector<32x512xf32> to vector<512xf32>
    %broadcast_in_dim3A_694 = vector.shape_cast %reduce_sum3A_693 : vector<512xf32> to vector<1x512xf32>
    %mul3A_695 = arith.mulf %slice3A_57, %slice3A_44 : vector<32x512xf32>
    %reduce_sum3A_696 = arith.constant dense<0.000000e+00> : vector<512xf32>
    %reduce_sum3A_697 = vector.multi_reduction <add>, %mul3A_695, %reduce_sum3A_696 [0] : vector<32x512xf32> to vector<512xf32>
    %broadcast_in_dim3A_698 = vector.shape_cast %reduce_sum3A_697 : vector<512xf32> to vector<1x512xf32>
    %mul3A_699 = arith.mulf %slice3A_57, %slice3A_45 : vector<32x512xf32>
    %reduce_sum3A_700 = arith.constant dense<0.000000e+00> : vector<512xf32>
    %reduce_sum3A_701 = vector.multi_reduction <add>, %mul3A_699, %reduce_sum3A_700 [0] : vector<32x512xf32> to vector<512xf32>
    %broadcast_in_dim3A_702 = vector.shape_cast %reduce_sum3A_701 : vector<512xf32> to vector<1x512xf32>
    %mul3A_703 = arith.mulf %slice3A_57, %slice3A_46 : vector<32x512xf32>
    %reduce_sum3A_704 = arith.constant dense<0.000000e+00> : vector<512xf32>
    %reduce_sum3A_705 = vector.multi_reduction <add>, %mul3A_703, %reduce_sum3A_704 [0] : vector<32x512xf32> to vector<512xf32>
    %broadcast_in_dim3A_706 = vector.shape_cast %reduce_sum3A_705 : vector<512xf32> to vector<1x512xf32>
    %mul3A_707 = arith.mulf %slice3A_57, %slice3A_47 : vector<32x512xf32>
    %reduce_sum3A_708 = arith.constant dense<0.000000e+00> : vector<512xf32>
    %reduce_sum3A_709 = vector.multi_reduction <add>, %mul3A_707, %reduce_sum3A_708 [0] : vector<32x512xf32> to vector<512xf32>
    %broadcast_in_dim3A_710 = vector.shape_cast %reduce_sum3A_709 : vector<512xf32> to vector<1x512xf32>
    %mul3A_711 = arith.mulf %slice3A_57, %slice3A_48 : vector<32x512xf32>
    %reduce_sum3A_712 = arith.constant dense<0.000000e+00> : vector<512xf32>
    %reduce_sum3A_713 = vector.multi_reduction <add>, %mul3A_711, %reduce_sum3A_712 [0] : vector<32x512xf32> to vector<512xf32>
    %broadcast_in_dim3A_714 = vector.shape_cast %reduce_sum3A_713 : vector<512xf32> to vector<1x512xf32>
    %mul3A_715 = arith.mulf %slice3A_57, %slice3A_49 : vector<32x512xf32>
    %reduce_sum3A_716 = arith.constant dense<0.000000e+00> : vector<512xf32>
    %reduce_sum3A_717 = vector.multi_reduction <add>, %mul3A_715, %reduce_sum3A_716 [0] : vector<32x512xf32> to vector<512xf32>
    %broadcast_in_dim3A_718 = vector.shape_cast %reduce_sum3A_717 : vector<512xf32> to vector<1x512xf32>
    %mul3A_719 = arith.mulf %slice3A_57, %slice3A_50 : vector<32x512xf32>
    %reduce_sum3A_720 = arith.constant dense<0.000000e+00> : vector<512xf32>
    %reduce_sum3A_721 = vector.multi_reduction <add>, %mul3A_719, %reduce_sum3A_720 [0] : vector<32x512xf32> to vector<512xf32>
    %broadcast_in_dim3A_722 = vector.shape_cast %reduce_sum3A_721 : vector<512xf32> to vector<1x512xf32>
    %mul3A_723 = arith.mulf %slice3A_57, %slice3A_51 : vector<32x512xf32>
    %reduce_sum3A_724 = arith.constant dense<0.000000e+00> : vector<512xf32>
    %reduce_sum3A_725 = vector.multi_reduction <add>, %mul3A_723, %reduce_sum3A_724 [0] : vector<32x512xf32> to vector<512xf32>
    %broadcast_in_dim3A_726 = vector.shape_cast %reduce_sum3A_725 : vector<512xf32> to vector<1x512xf32>
    %mul3A_727 = arith.mulf %slice3A_57, %slice3A_52 : vector<32x512xf32>
    %reduce_sum3A_728 = arith.constant dense<0.000000e+00> : vector<512xf32>
    %reduce_sum3A_729 = vector.multi_reduction <add>, %mul3A_727, %reduce_sum3A_728 [0] : vector<32x512xf32> to vector<512xf32>
    %broadcast_in_dim3A_730 = vector.shape_cast %reduce_sum3A_729 : vector<512xf32> to vector<1x512xf32>
    %mul3A_731 = arith.mulf %slice3A_57, %slice3A_53 : vector<32x512xf32>
    %reduce_sum3A_732 = arith.constant dense<0.000000e+00> : vector<512xf32>
    %reduce_sum3A_733 = vector.multi_reduction <add>, %mul3A_731, %reduce_sum3A_732 [0] : vector<32x512xf32> to vector<512xf32>
    %broadcast_in_dim3A_734 = vector.shape_cast %reduce_sum3A_733 : vector<512xf32> to vector<1x512xf32>
    %mul3A_735 = arith.mulf %slice3A_57, %slice3A_54 : vector<32x512xf32>
    %reduce_sum3A_736 = arith.constant dense<0.000000e+00> : vector<512xf32>
    %reduce_sum3A_737 = vector.multi_reduction <add>, %mul3A_735, %reduce_sum3A_736 [0] : vector<32x512xf32> to vector<512xf32>
    %broadcast_in_dim3A_738 = vector.shape_cast %reduce_sum3A_737 : vector<512xf32> to vector<1x512xf32>
    %mul3A_739 = arith.mulf %slice3A_57, %slice3A_55 : vector<32x512xf32>
    %reduce_sum3A_740 = arith.constant dense<0.000000e+00> : vector<512xf32>
    %reduce_sum3A_741 = vector.multi_reduction <add>, %mul3A_739, %reduce_sum3A_740 [0] : vector<32x512xf32> to vector<512xf32>
    %broadcast_in_dim3A_742 = vector.shape_cast %reduce_sum3A_741 : vector<512xf32> to vector<1x512xf32>
    %mul3A_743 = arith.mulf %slice3A_57, %slice3A_56 : vector<32x512xf32>
    %reduce_sum3A_744 = arith.constant dense<0.000000e+00> : vector<512xf32>
    %reduce_sum3A_745 = vector.multi_reduction <add>, %mul3A_743, %reduce_sum3A_744 [0] : vector<32x512xf32> to vector<512xf32>
    %broadcast_in_dim3A_746 = vector.shape_cast %reduce_sum3A_745 : vector<512xf32> to vector<1x512xf32>
    %mul3A_747 = arith.mulf %slice3A_58, %max3A_37 : vector<32x512xf32>
    %reduce_sum3A_748 = arith.constant dense<0.000000e+00> : vector<512xf32>
    %reduce_sum3A_749 = vector.multi_reduction <add>, %mul3A_747, %reduce_sum3A_748 [0] : vector<32x512xf32> to vector<512xf32>
    %broadcast_in_dim3A_750 = vector.shape_cast %reduce_sum3A_749 : vector<512xf32> to vector<1x512xf32>
    %mul3A_751 = arith.mulf %slice3A_58, %slice3A : vector<32x512xf32>
    %reduce_sum3A_752 = arith.constant dense<0.000000e+00> : vector<512xf32>
    %reduce_sum3A_753 = vector.multi_reduction <add>, %mul3A_751, %reduce_sum3A_752 [0] : vector<32x512xf32> to vector<512xf32>
    %broadcast_in_dim3A_754 = vector.shape_cast %reduce_sum3A_753 : vector<512xf32> to vector<1x512xf32>
    %mul3A_755 = arith.mulf %slice3A_58, %slice3A_41 : vector<32x512xf32>
    %reduce_sum3A_756 = arith.constant dense<0.000000e+00> : vector<512xf32>
    %reduce_sum3A_757 = vector.multi_reduction <add>, %mul3A_755, %reduce_sum3A_756 [0] : vector<32x512xf32> to vector<512xf32>
    %broadcast_in_dim3A_758 = vector.shape_cast %reduce_sum3A_757 : vector<512xf32> to vector<1x512xf32>
    %mul3A_759 = arith.mulf %slice3A_58, %slice3A_42 : vector<32x512xf32>
    %reduce_sum3A_760 = arith.constant dense<0.000000e+00> : vector<512xf32>
    %reduce_sum3A_761 = vector.multi_reduction <add>, %mul3A_759, %reduce_sum3A_760 [0] : vector<32x512xf32> to vector<512xf32>
    %broadcast_in_dim3A_762 = vector.shape_cast %reduce_sum3A_761 : vector<512xf32> to vector<1x512xf32>
    %mul3A_763 = arith.mulf %slice3A_58, %slice3A_43 : vector<32x512xf32>
    %reduce_sum3A_764 = arith.constant dense<0.000000e+00> : vector<512xf32>
    %reduce_sum3A_765 = vector.multi_reduction <add>, %mul3A_763, %reduce_sum3A_764 [0] : vector<32x512xf32> to vector<512xf32>
    %broadcast_in_dim3A_766 = vector.shape_cast %reduce_sum3A_765 : vector<512xf32> to vector<1x512xf32>
    %mul3A_767 = arith.mulf %slice3A_58, %slice3A_44 : vector<32x512xf32>
    %reduce_sum3A_768 = arith.constant dense<0.000000e+00> : vector<512xf32>
    %reduce_sum3A_769 = vector.multi_reduction <add>, %mul3A_767, %reduce_sum3A_768 [0] : vector<32x512xf32> to vector<512xf32>
    %broadcast_in_dim3A_770 = vector.shape_cast %reduce_sum3A_769 : vector<512xf32> to vector<1x512xf32>
    %mul3A_771 = arith.mulf %slice3A_58, %slice3A_45 : vector<32x512xf32>
    %reduce_sum3A_772 = arith.constant dense<0.000000e+00> : vector<512xf32>
    %reduce_sum3A_773 = vector.multi_reduction <add>, %mul3A_771, %reduce_sum3A_772 [0] : vector<32x512xf32> to vector<512xf32>
    %broadcast_in_dim3A_774 = vector.shape_cast %reduce_sum3A_773 : vector<512xf32> to vector<1x512xf32>
    %mul3A_775 = arith.mulf %slice3A_58, %slice3A_46 : vector<32x512xf32>
    %reduce_sum3A_776 = arith.constant dense<0.000000e+00> : vector<512xf32>
    %reduce_sum3A_777 = vector.multi_reduction <add>, %mul3A_775, %reduce_sum3A_776 [0] : vector<32x512xf32> to vector<512xf32>
    %broadcast_in_dim3A_778 = vector.shape_cast %reduce_sum3A_777 : vector<512xf32> to vector<1x512xf32>
    %mul3A_779 = arith.mulf %slice3A_58, %slice3A_47 : vector<32x512xf32>
    %reduce_sum3A_780 = arith.constant dense<0.000000e+00> : vector<512xf32>
    %reduce_sum3A_781 = vector.multi_reduction <add>, %mul3A_779, %reduce_sum3A_780 [0] : vector<32x512xf32> to vector<512xf32>
    %broadcast_in_dim3A_782 = vector.shape_cast %reduce_sum3A_781 : vector<512xf32> to vector<1x512xf32>
    %mul3A_783 = arith.mulf %slice3A_58, %slice3A_48 : vector<32x512xf32>
    %reduce_sum3A_784 = arith.constant dense<0.000000e+00> : vector<512xf32>
    %reduce_sum3A_785 = vector.multi_reduction <add>, %mul3A_783, %reduce_sum3A_784 [0] : vector<32x512xf32> to vector<512xf32>
    %broadcast_in_dim3A_786 = vector.shape_cast %reduce_sum3A_785 : vector<512xf32> to vector<1x512xf32>
    %mul3A_787 = arith.mulf %slice3A_58, %slice3A_49 : vector<32x512xf32>
    %reduce_sum3A_788 = arith.constant dense<0.000000e+00> : vector<512xf32>
    %reduce_sum3A_789 = vector.multi_reduction <add>, %mul3A_787, %reduce_sum3A_788 [0] : vector<32x512xf32> to vector<512xf32>
    %broadcast_in_dim3A_790 = vector.shape_cast %reduce_sum3A_789 : vector<512xf32> to vector<1x512xf32>
    %mul3A_791 = arith.mulf %slice3A_58, %slice3A_50 : vector<32x512xf32>
    %reduce_sum3A_792 = arith.constant dense<0.000000e+00> : vector<512xf32>
    %reduce_sum3A_793 = vector.multi_reduction <add>, %mul3A_791, %reduce_sum3A_792 [0] : vector<32x512xf32> to vector<512xf32>
    %broadcast_in_dim3A_794 = vector.shape_cast %reduce_sum3A_793 : vector<512xf32> to vector<1x512xf32>
    %mul3A_795 = arith.mulf %slice3A_58, %slice3A_51 : vector<32x512xf32>
    %reduce_sum3A_796 = arith.constant dense<0.000000e+00> : vector<512xf32>
    %reduce_sum3A_797 = vector.multi_reduction <add>, %mul3A_795, %reduce_sum3A_796 [0] : vector<32x512xf32> to vector<512xf32>
    %broadcast_in_dim3A_798 = vector.shape_cast %reduce_sum3A_797 : vector<512xf32> to vector<1x512xf32>
    %mul3A_799 = arith.mulf %slice3A_58, %slice3A_52 : vector<32x512xf32>
    %reduce_sum3A_800 = arith.constant dense<0.000000e+00> : vector<512xf32>
    %reduce_sum3A_801 = vector.multi_reduction <add>, %mul3A_799, %reduce_sum3A_800 [0] : vector<32x512xf32> to vector<512xf32>
    %broadcast_in_dim3A_802 = vector.shape_cast %reduce_sum3A_801 : vector<512xf32> to vector<1x512xf32>
    %mul3A_803 = arith.mulf %slice3A_58, %slice3A_53 : vector<32x512xf32>
    %reduce_sum3A_804 = arith.constant dense<0.000000e+00> : vector<512xf32>
    %reduce_sum3A_805 = vector.multi_reduction <add>, %mul3A_803, %reduce_sum3A_804 [0] : vector<32x512xf32> to vector<512xf32>
    %broadcast_in_dim3A_806 = vector.shape_cast %reduce_sum3A_805 : vector<512xf32> to vector<1x512xf32>
    %mul3A_807 = arith.mulf %slice3A_58, %slice3A_54 : vector<32x512xf32>
    %reduce_sum3A_808 = arith.constant dense<0.000000e+00> : vector<512xf32>
    %reduce_sum3A_809 = vector.multi_reduction <add>, %mul3A_807, %reduce_sum3A_808 [0] : vector<32x512xf32> to vector<512xf32>
    %broadcast_in_dim3A_810 = vector.shape_cast %reduce_sum3A_809 : vector<512xf32> to vector<1x512xf32>
    %mul3A_811 = arith.mulf %slice3A_58, %slice3A_55 : vector<32x512xf32>
    %reduce_sum3A_812 = arith.constant dense<0.000000e+00> : vector<512xf32>
    %reduce_sum3A_813 = vector.multi_reduction <add>, %mul3A_811, %reduce_sum3A_812 [0] : vector<32x512xf32> to vector<512xf32>
    %broadcast_in_dim3A_814 = vector.shape_cast %reduce_sum3A_813 : vector<512xf32> to vector<1x512xf32>
    %mul3A_815 = arith.mulf %slice3A_58, %slice3A_56 : vector<32x512xf32>
    %reduce_sum3A_816 = arith.constant dense<0.000000e+00> : vector<512xf32>
    %reduce_sum3A_817 = vector.multi_reduction <add>, %mul3A_815, %reduce_sum3A_816 [0] : vector<32x512xf32> to vector<512xf32>
    %broadcast_in_dim3A_818 = vector.shape_cast %reduce_sum3A_817 : vector<512xf32> to vector<1x512xf32>
    %mul3A_819 = arith.mulf %slice3A_58, %slice3A_57 : vector<32x512xf32>
    %reduce_sum3A_820 = arith.constant dense<0.000000e+00> : vector<512xf32>
    %reduce_sum3A_821 = vector.multi_reduction <add>, %mul3A_819, %reduce_sum3A_820 [0] : vector<32x512xf32> to vector<512xf32>
    %broadcast_in_dim3A_822 = vector.shape_cast %reduce_sum3A_821 : vector<512xf32> to vector<1x512xf32>
    %mul3A_823 = arith.mulf %slice3A_59, %max3A_37 : vector<32x512xf32>
    %reduce_sum3A_824 = arith.constant dense<0.000000e+00> : vector<512xf32>
    %reduce_sum3A_825 = vector.multi_reduction <add>, %mul3A_823, %reduce_sum3A_824 [0] : vector<32x512xf32> to vector<512xf32>
    %broadcast_in_dim3A_826 = vector.shape_cast %reduce_sum3A_825 : vector<512xf32> to vector<1x512xf32>
    %mul3A_827 = arith.mulf %slice3A_59, %slice3A : vector<32x512xf32>
    %reduce_sum3A_828 = arith.constant dense<0.000000e+00> : vector<512xf32>
    %reduce_sum3A_829 = vector.multi_reduction <add>, %mul3A_827, %reduce_sum3A_828 [0] : vector<32x512xf32> to vector<512xf32>
    %broadcast_in_dim3A_830 = vector.shape_cast %reduce_sum3A_829 : vector<512xf32> to vector<1x512xf32>
    %mul3A_831 = arith.mulf %slice3A_59, %slice3A_41 : vector<32x512xf32>
    %reduce_sum3A_832 = arith.constant dense<0.000000e+00> : vector<512xf32>
    %reduce_sum3A_833 = vector.multi_reduction <add>, %mul3A_831, %reduce_sum3A_832 [0] : vector<32x512xf32> to vector<512xf32>
    %broadcast_in_dim3A_834 = vector.shape_cast %reduce_sum3A_833 : vector<512xf32> to vector<1x512xf32>
    %mul3A_835 = arith.mulf %slice3A_59, %slice3A_42 : vector<32x512xf32>
    %reduce_sum3A_836 = arith.constant dense<0.000000e+00> : vector<512xf32>
    %reduce_sum3A_837 = vector.multi_reduction <add>, %mul3A_835, %reduce_sum3A_836 [0] : vector<32x512xf32> to vector<512xf32>
    %broadcast_in_dim3A_838 = vector.shape_cast %reduce_sum3A_837 : vector<512xf32> to vector<1x512xf32>
    %mul3A_839 = arith.mulf %slice3A_59, %slice3A_43 : vector<32x512xf32>
    %reduce_sum3A_840 = arith.constant dense<0.000000e+00> : vector<512xf32>
    %reduce_sum3A_841 = vector.multi_reduction <add>, %mul3A_839, %reduce_sum3A_840 [0] : vector<32x512xf32> to vector<512xf32>
    %broadcast_in_dim3A_842 = vector.shape_cast %reduce_sum3A_841 : vector<512xf32> to vector<1x512xf32>
    %mul3A_843 = arith.mulf %slice3A_59, %slice3A_44 : vector<32x512xf32>
    %reduce_sum3A_844 = arith.constant dense<0.000000e+00> : vector<512xf32>
    %reduce_sum3A_845 = vector.multi_reduction <add>, %mul3A_843, %reduce_sum3A_844 [0] : vector<32x512xf32> to vector<512xf32>
    %broadcast_in_dim3A_846 = vector.shape_cast %reduce_sum3A_845 : vector<512xf32> to vector<1x512xf32>
    %mul3A_847 = arith.mulf %slice3A_59, %slice3A_45 : vector<32x512xf32>
    %reduce_sum3A_848 = arith.constant dense<0.000000e+00> : vector<512xf32>
    %reduce_sum3A_849 = vector.multi_reduction <add>, %mul3A_847, %reduce_sum3A_848 [0] : vector<32x512xf32> to vector<512xf32>
    %broadcast_in_dim3A_850 = vector.shape_cast %reduce_sum3A_849 : vector<512xf32> to vector<1x512xf32>
    %mul3A_851 = arith.mulf %slice3A_59, %slice3A_46 : vector<32x512xf32>
    %reduce_sum3A_852 = arith.constant dense<0.000000e+00> : vector<512xf32>
    %reduce_sum3A_853 = vector.multi_reduction <add>, %mul3A_851, %reduce_sum3A_852 [0] : vector<32x512xf32> to vector<512xf32>
    %broadcast_in_dim3A_854 = vector.shape_cast %reduce_sum3A_853 : vector<512xf32> to vector<1x512xf32>
    %mul3A_855 = arith.mulf %slice3A_59, %slice3A_47 : vector<32x512xf32>
    %reduce_sum3A_856 = arith.constant dense<0.000000e+00> : vector<512xf32>
    %reduce_sum3A_857 = vector.multi_reduction <add>, %mul3A_855, %reduce_sum3A_856 [0] : vector<32x512xf32> to vector<512xf32>
    %broadcast_in_dim3A_858 = vector.shape_cast %reduce_sum3A_857 : vector<512xf32> to vector<1x512xf32>
    %mul3A_859 = arith.mulf %slice3A_59, %slice3A_48 : vector<32x512xf32>
    %reduce_sum3A_860 = arith.constant dense<0.000000e+00> : vector<512xf32>
    %reduce_sum3A_861 = vector.multi_reduction <add>, %mul3A_859, %reduce_sum3A_860 [0] : vector<32x512xf32> to vector<512xf32>
    %broadcast_in_dim3A_862 = vector.shape_cast %reduce_sum3A_861 : vector<512xf32> to vector<1x512xf32>
    %mul3A_863 = arith.mulf %slice3A_59, %slice3A_49 : vector<32x512xf32>
    %reduce_sum3A_864 = arith.constant dense<0.000000e+00> : vector<512xf32>
    %reduce_sum3A_865 = vector.multi_reduction <add>, %mul3A_863, %reduce_sum3A_864 [0] : vector<32x512xf32> to vector<512xf32>
    %broadcast_in_dim3A_866 = vector.shape_cast %reduce_sum3A_865 : vector<512xf32> to vector<1x512xf32>
    %mul3A_867 = arith.mulf %slice3A_59, %slice3A_50 : vector<32x512xf32>
    %reduce_sum3A_868 = arith.constant dense<0.000000e+00> : vector<512xf32>
    %reduce_sum3A_869 = vector.multi_reduction <add>, %mul3A_867, %reduce_sum3A_868 [0] : vector<32x512xf32> to vector<512xf32>
    %broadcast_in_dim3A_870 = vector.shape_cast %reduce_sum3A_869 : vector<512xf32> to vector<1x512xf32>
    %mul3A_871 = arith.mulf %slice3A_59, %slice3A_51 : vector<32x512xf32>
    %reduce_sum3A_872 = arith.constant dense<0.000000e+00> : vector<512xf32>
    %reduce_sum3A_873 = vector.multi_reduction <add>, %mul3A_871, %reduce_sum3A_872 [0] : vector<32x512xf32> to vector<512xf32>
    %broadcast_in_dim3A_874 = vector.shape_cast %reduce_sum3A_873 : vector<512xf32> to vector<1x512xf32>
    %mul3A_875 = arith.mulf %slice3A_59, %slice3A_52 : vector<32x512xf32>
    %reduce_sum3A_876 = arith.constant dense<0.000000e+00> : vector<512xf32>
    %reduce_sum3A_877 = vector.multi_reduction <add>, %mul3A_875, %reduce_sum3A_876 [0] : vector<32x512xf32> to vector<512xf32>
    %broadcast_in_dim3A_878 = vector.shape_cast %reduce_sum3A_877 : vector<512xf32> to vector<1x512xf32>
    %mul3A_879 = arith.mulf %slice3A_59, %slice3A_53 : vector<32x512xf32>
    %reduce_sum3A_880 = arith.constant dense<0.000000e+00> : vector<512xf32>
    %reduce_sum3A_881 = vector.multi_reduction <add>, %mul3A_879, %reduce_sum3A_880 [0] : vector<32x512xf32> to vector<512xf32>
    %broadcast_in_dim3A_882 = vector.shape_cast %reduce_sum3A_881 : vector<512xf32> to vector<1x512xf32>
    %mul3A_883 = arith.mulf %slice3A_59, %slice3A_54 : vector<32x512xf32>
    %reduce_sum3A_884 = arith.constant dense<0.000000e+00> : vector<512xf32>
    %reduce_sum3A_885 = vector.multi_reduction <add>, %mul3A_883, %reduce_sum3A_884 [0] : vector<32x512xf32> to vector<512xf32>
    %broadcast_in_dim3A_886 = vector.shape_cast %reduce_sum3A_885 : vector<512xf32> to vector<1x512xf32>
    %mul3A_887 = arith.mulf %slice3A_59, %slice3A_55 : vector<32x512xf32>
    %reduce_sum3A_888 = arith.constant dense<0.000000e+00> : vector<512xf32>
    %reduce_sum3A_889 = vector.multi_reduction <add>, %mul3A_887, %reduce_sum3A_888 [0] : vector<32x512xf32> to vector<512xf32>
    %broadcast_in_dim3A_890 = vector.shape_cast %reduce_sum3A_889 : vector<512xf32> to vector<1x512xf32>
    %mul3A_891 = arith.mulf %slice3A_59, %slice3A_56 : vector<32x512xf32>
    %reduce_sum3A_892 = arith.constant dense<0.000000e+00> : vector<512xf32>
    %reduce_sum3A_893 = vector.multi_reduction <add>, %mul3A_891, %reduce_sum3A_892 [0] : vector<32x512xf32> to vector<512xf32>
    %broadcast_in_dim3A_894 = vector.shape_cast %reduce_sum3A_893 : vector<512xf32> to vector<1x512xf32>
    %mul3A_895 = arith.mulf %slice3A_59, %slice3A_57 : vector<32x512xf32>
    %reduce_sum3A_896 = arith.constant dense<0.000000e+00> : vector<512xf32>
    %reduce_sum3A_897 = vector.multi_reduction <add>, %mul3A_895, %reduce_sum3A_896 [0] : vector<32x512xf32> to vector<512xf32>
    %broadcast_in_dim3A_898 = vector.shape_cast %reduce_sum3A_897 : vector<512xf32> to vector<1x512xf32>
    %mul3A_899 = arith.mulf %slice3A_59, %slice3A_58 : vector<32x512xf32>
    %reduce_sum3A_900 = arith.constant dense<0.000000e+00> : vector<512xf32>
    %reduce_sum3A_901 = vector.multi_reduction <add>, %mul3A_899, %reduce_sum3A_900 [0] : vector<32x512xf32> to vector<512xf32>
    %broadcast_in_dim3A_902 = vector.shape_cast %reduce_sum3A_901 : vector<512xf32> to vector<1x512xf32>
    %mul3A_903 = arith.mulf %slice3A_60, %max3A_37 : vector<32x512xf32>
    %reduce_sum3A_904 = arith.constant dense<0.000000e+00> : vector<512xf32>
    %reduce_sum3A_905 = vector.multi_reduction <add>, %mul3A_903, %reduce_sum3A_904 [0] : vector<32x512xf32> to vector<512xf32>
    %broadcast_in_dim3A_906 = vector.shape_cast %reduce_sum3A_905 : vector<512xf32> to vector<1x512xf32>
    %mul3A_907 = arith.mulf %slice3A_60, %slice3A : vector<32x512xf32>
    %reduce_sum3A_908 = arith.constant dense<0.000000e+00> : vector<512xf32>
    %reduce_sum3A_909 = vector.multi_reduction <add>, %mul3A_907, %reduce_sum3A_908 [0] : vector<32x512xf32> to vector<512xf32>
    %broadcast_in_dim3A_910 = vector.shape_cast %reduce_sum3A_909 : vector<512xf32> to vector<1x512xf32>
    %mul3A_911 = arith.mulf %slice3A_60, %slice3A_41 : vector<32x512xf32>
    %reduce_sum3A_912 = arith.constant dense<0.000000e+00> : vector<512xf32>
    %reduce_sum3A_913 = vector.multi_reduction <add>, %mul3A_911, %reduce_sum3A_912 [0] : vector<32x512xf32> to vector<512xf32>
    %broadcast_in_dim3A_914 = vector.shape_cast %reduce_sum3A_913 : vector<512xf32> to vector<1x512xf32>
    %mul3A_915 = arith.mulf %slice3A_60, %slice3A_42 : vector<32x512xf32>
    %reduce_sum3A_916 = arith.constant dense<0.000000e+00> : vector<512xf32>
    %reduce_sum3A_917 = vector.multi_reduction <add>, %mul3A_915, %reduce_sum3A_916 [0] : vector<32x512xf32> to vector<512xf32>
    %broadcast_in_dim3A_918 = vector.shape_cast %reduce_sum3A_917 : vector<512xf32> to vector<1x512xf32>
    %mul3A_919 = arith.mulf %slice3A_60, %slice3A_43 : vector<32x512xf32>
    %reduce_sum3A_920 = arith.constant dense<0.000000e+00> : vector<512xf32>
    %reduce_sum3A_921 = vector.multi_reduction <add>, %mul3A_919, %reduce_sum3A_920 [0] : vector<32x512xf32> to vector<512xf32>
    %broadcast_in_dim3A_922 = vector.shape_cast %reduce_sum3A_921 : vector<512xf32> to vector<1x512xf32>
    %mul3A_923 = arith.mulf %slice3A_60, %slice3A_44 : vector<32x512xf32>
    %reduce_sum3A_924 = arith.constant dense<0.000000e+00> : vector<512xf32>
    %reduce_sum3A_925 = vector.multi_reduction <add>, %mul3A_923, %reduce_sum3A_924 [0] : vector<32x512xf32> to vector<512xf32>
    %broadcast_in_dim3A_926 = vector.shape_cast %reduce_sum3A_925 : vector<512xf32> to vector<1x512xf32>
    %mul3A_927 = arith.mulf %slice3A_60, %slice3A_45 : vector<32x512xf32>
    %reduce_sum3A_928 = arith.constant dense<0.000000e+00> : vector<512xf32>
    %reduce_sum3A_929 = vector.multi_reduction <add>, %mul3A_927, %reduce_sum3A_928 [0] : vector<32x512xf32> to vector<512xf32>
    %broadcast_in_dim3A_930 = vector.shape_cast %reduce_sum3A_929 : vector<512xf32> to vector<1x512xf32>
    %mul3A_931 = arith.mulf %slice3A_60, %slice3A_46 : vector<32x512xf32>
    %reduce_sum3A_932 = arith.constant dense<0.000000e+00> : vector<512xf32>
    %reduce_sum3A_933 = vector.multi_reduction <add>, %mul3A_931, %reduce_sum3A_932 [0] : vector<32x512xf32> to vector<512xf32>
    %broadcast_in_dim3A_934 = vector.shape_cast %reduce_sum3A_933 : vector<512xf32> to vector<1x512xf32>
    %mul3A_935 = arith.mulf %slice3A_60, %slice3A_47 : vector<32x512xf32>
    %reduce_sum3A_936 = arith.constant dense<0.000000e+00> : vector<512xf32>
    %reduce_sum3A_937 = vector.multi_reduction <add>, %mul3A_935, %reduce_sum3A_936 [0] : vector<32x512xf32> to vector<512xf32>
    %broadcast_in_dim3A_938 = vector.shape_cast %reduce_sum3A_937 : vector<512xf32> to vector<1x512xf32>
    %mul3A_939 = arith.mulf %slice3A_60, %slice3A_48 : vector<32x512xf32>
    %reduce_sum3A_940 = arith.constant dense<0.000000e+00> : vector<512xf32>
    %reduce_sum3A_941 = vector.multi_reduction <add>, %mul3A_939, %reduce_sum3A_940 [0] : vector<32x512xf32> to vector<512xf32>
    %broadcast_in_dim3A_942 = vector.shape_cast %reduce_sum3A_941 : vector<512xf32> to vector<1x512xf32>
    %mul3A_943 = arith.mulf %slice3A_60, %slice3A_49 : vector<32x512xf32>
    %reduce_sum3A_944 = arith.constant dense<0.000000e+00> : vector<512xf32>
    %reduce_sum3A_945 = vector.multi_reduction <add>, %mul3A_943, %reduce_sum3A_944 [0] : vector<32x512xf32> to vector<512xf32>
    %broadcast_in_dim3A_946 = vector.shape_cast %reduce_sum3A_945 : vector<512xf32> to vector<1x512xf32>
    %mul3A_947 = arith.mulf %slice3A_60, %slice3A_50 : vector<32x512xf32>
    %reduce_sum3A_948 = arith.constant dense<0.000000e+00> : vector<512xf32>
    %reduce_sum3A_949 = vector.multi_reduction <add>, %mul3A_947, %reduce_sum3A_948 [0] : vector<32x512xf32> to vector<512xf32>
    %broadcast_in_dim3A_950 = vector.shape_cast %reduce_sum3A_949 : vector<512xf32> to vector<1x512xf32>
    %mul3A_951 = arith.mulf %slice3A_60, %slice3A_51 : vector<32x512xf32>
    %reduce_sum3A_952 = arith.constant dense<0.000000e+00> : vector<512xf32>
    %reduce_sum3A_953 = vector.multi_reduction <add>, %mul3A_951, %reduce_sum3A_952 [0] : vector<32x512xf32> to vector<512xf32>
    %broadcast_in_dim3A_954 = vector.shape_cast %reduce_sum3A_953 : vector<512xf32> to vector<1x512xf32>
    %mul3A_955 = arith.mulf %slice3A_60, %slice3A_52 : vector<32x512xf32>
    %reduce_sum3A_956 = arith.constant dense<0.000000e+00> : vector<512xf32>
    %reduce_sum3A_957 = vector.multi_reduction <add>, %mul3A_955, %reduce_sum3A_956 [0] : vector<32x512xf32> to vector<512xf32>
    %broadcast_in_dim3A_958 = vector.shape_cast %reduce_sum3A_957 : vector<512xf32> to vector<1x512xf32>
    %mul3A_959 = arith.mulf %slice3A_60, %slice3A_53 : vector<32x512xf32>
    %reduce_sum3A_960 = arith.constant dense<0.000000e+00> : vector<512xf32>
    %reduce_sum3A_961 = vector.multi_reduction <add>, %mul3A_959, %reduce_sum3A_960 [0] : vector<32x512xf32> to vector<512xf32>
    %broadcast_in_dim3A_962 = vector.shape_cast %reduce_sum3A_961 : vector<512xf32> to vector<1x512xf32>
    %mul3A_963 = arith.mulf %slice3A_60, %slice3A_54 : vector<32x512xf32>
    %reduce_sum3A_964 = arith.constant dense<0.000000e+00> : vector<512xf32>
    %reduce_sum3A_965 = vector.multi_reduction <add>, %mul3A_963, %reduce_sum3A_964 [0] : vector<32x512xf32> to vector<512xf32>
    %broadcast_in_dim3A_966 = vector.shape_cast %reduce_sum3A_965 : vector<512xf32> to vector<1x512xf32>
    %mul3A_967 = arith.mulf %slice3A_60, %slice3A_55 : vector<32x512xf32>
    %reduce_sum3A_968 = arith.constant dense<0.000000e+00> : vector<512xf32>
    %reduce_sum3A_969 = vector.multi_reduction <add>, %mul3A_967, %reduce_sum3A_968 [0] : vector<32x512xf32> to vector<512xf32>
    %broadcast_in_dim3A_970 = vector.shape_cast %reduce_sum3A_969 : vector<512xf32> to vector<1x512xf32>
    %mul3A_971 = arith.mulf %slice3A_60, %slice3A_56 : vector<32x512xf32>
    %reduce_sum3A_972 = arith.constant dense<0.000000e+00> : vector<512xf32>
    %reduce_sum3A_973 = vector.multi_reduction <add>, %mul3A_971, %reduce_sum3A_972 [0] : vector<32x512xf32> to vector<512xf32>
    %broadcast_in_dim3A_974 = vector.shape_cast %reduce_sum3A_973 : vector<512xf32> to vector<1x512xf32>
    %mul3A_975 = arith.mulf %slice3A_60, %slice3A_57 : vector<32x512xf32>
    %reduce_sum3A_976 = arith.constant dense<0.000000e+00> : vector<512xf32>
    %reduce_sum3A_977 = vector.multi_reduction <add>, %mul3A_975, %reduce_sum3A_976 [0] : vector<32x512xf32> to vector<512xf32>
    %broadcast_in_dim3A_978 = vector.shape_cast %reduce_sum3A_977 : vector<512xf32> to vector<1x512xf32>
    %mul3A_979 = arith.mulf %slice3A_60, %slice3A_58 : vector<32x512xf32>
    %reduce_sum3A_980 = arith.constant dense<0.000000e+00> : vector<512xf32>
    %reduce_sum3A_981 = vector.multi_reduction <add>, %mul3A_979, %reduce_sum3A_980 [0] : vector<32x512xf32> to vector<512xf32>
    %broadcast_in_dim3A_982 = vector.shape_cast %reduce_sum3A_981 : vector<512xf32> to vector<1x512xf32>
    %mul3A_983 = arith.mulf %slice3A_60, %slice3A_59 : vector<32x512xf32>
    %reduce_sum3A_984 = arith.constant dense<0.000000e+00> : vector<512xf32>
    %reduce_sum3A_985 = vector.multi_reduction <add>, %mul3A_983, %reduce_sum3A_984 [0] : vector<32x512xf32> to vector<512xf32>
    %broadcast_in_dim3A_986 = vector.shape_cast %reduce_sum3A_985 : vector<512xf32> to vector<1x512xf32>
    %mul3A_987 = arith.mulf %slice3A_61, %max3A_37 : vector<32x512xf32>
    %reduce_sum3A_988 = arith.constant dense<0.000000e+00> : vector<512xf32>
    %reduce_sum3A_989 = vector.multi_reduction <add>, %mul3A_987, %reduce_sum3A_988 [0] : vector<32x512xf32> to vector<512xf32>
    %broadcast_in_dim3A_990 = vector.shape_cast %reduce_sum3A_989 : vector<512xf32> to vector<1x512xf32>
    %mul3A_991 = arith.mulf %slice3A_61, %slice3A : vector<32x512xf32>
    %reduce_sum3A_992 = arith.constant dense<0.000000e+00> : vector<512xf32>
    %reduce_sum3A_993 = vector.multi_reduction <add>, %mul3A_991, %reduce_sum3A_992 [0] : vector<32x512xf32> to vector<512xf32>
    %broadcast_in_dim3A_994 = vector.shape_cast %reduce_sum3A_993 : vector<512xf32> to vector<1x512xf32>
    %mul3A_995 = arith.mulf %slice3A_61, %slice3A_41 : vector<32x512xf32>
    %reduce_sum3A_996 = arith.constant dense<0.000000e+00> : vector<512xf32>
    %reduce_sum3A_997 = vector.multi_reduction <add>, %mul3A_995, %reduce_sum3A_996 [0] : vector<32x512xf32> to vector<512xf32>
    %broadcast_in_dim3A_998 = vector.shape_cast %reduce_sum3A_997 : vector<512xf32> to vector<1x512xf32>
    %mul3A_999 = arith.mulf %slice3A_61, %slice3A_42 : vector<32x512xf32>
    %reduce_sum3A_1000 = arith.constant dense<0.000000e+00> : vector<512xf32>
    %reduce_sum3A_1001 = vector.multi_reduction <add>, %mul3A_999, %reduce_sum3A_1000 [0] : vector<32x512xf32> to vector<512xf32>
    %broadcast_in_dim3A_1002 = vector.shape_cast %reduce_sum3A_1001 : vector<512xf32> to vector<1x512xf32>
    %mul3A_1003 = arith.mulf %slice3A_61, %slice3A_43 : vector<32x512xf32>
    %reduce_sum3A_1004 = arith.constant dense<0.000000e+00> : vector<512xf32>
    %reduce_sum3A_1005 = vector.multi_reduction <add>, %mul3A_1003, %reduce_sum3A_1004 [0] : vector<32x512xf32> to vector<512xf32>
    %broadcast_in_dim3A_1006 = vector.shape_cast %reduce_sum3A_1005 : vector<512xf32> to vector<1x512xf32>
    %mul3A_1007 = arith.mulf %slice3A_61, %slice3A_44 : vector<32x512xf32>
    %reduce_sum3A_1008 = arith.constant dense<0.000000e+00> : vector<512xf32>
    %reduce_sum3A_1009 = vector.multi_reduction <add>, %mul3A_1007, %reduce_sum3A_1008 [0] : vector<32x512xf32> to vector<512xf32>
    %broadcast_in_dim3A_1010 = vector.shape_cast %reduce_sum3A_1009 : vector<512xf32> to vector<1x512xf32>
    %mul3A_1011 = arith.mulf %slice3A_61, %slice3A_45 : vector<32x512xf32>
    %reduce_sum3A_1012 = arith.constant dense<0.000000e+00> : vector<512xf32>
    %reduce_sum3A_1013 = vector.multi_reduction <add>, %mul3A_1011, %reduce_sum3A_1012 [0] : vector<32x512xf32> to vector<512xf32>
    %broadcast_in_dim3A_1014 = vector.shape_cast %reduce_sum3A_1013 : vector<512xf32> to vector<1x512xf32>
    %mul3A_1015 = arith.mulf %slice3A_61, %slice3A_46 : vector<32x512xf32>
    %reduce_sum3A_1016 = arith.constant dense<0.000000e+00> : vector<512xf32>
    %reduce_sum3A_1017 = vector.multi_reduction <add>, %mul3A_1015, %reduce_sum3A_1016 [0] : vector<32x512xf32> to vector<512xf32>
    %broadcast_in_dim3A_1018 = vector.shape_cast %reduce_sum3A_1017 : vector<512xf32> to vector<1x512xf32>
    %mul3A_1019 = arith.mulf %slice3A_61, %slice3A_47 : vector<32x512xf32>
    %reduce_sum3A_1020 = arith.constant dense<0.000000e+00> : vector<512xf32>
    %reduce_sum3A_1021 = vector.multi_reduction <add>, %mul3A_1019, %reduce_sum3A_1020 [0] : vector<32x512xf32> to vector<512xf32>
    %broadcast_in_dim3A_1022 = vector.shape_cast %reduce_sum3A_1021 : vector<512xf32> to vector<1x512xf32>
    %mul3A_1023 = arith.mulf %slice3A_61, %slice3A_48 : vector<32x512xf32>
    %reduce_sum3A_1024 = arith.constant dense<0.000000e+00> : vector<512xf32>
    %reduce_sum3A_1025 = vector.multi_reduction <add>, %mul3A_1023, %reduce_sum3A_1024 [0] : vector<32x512xf32> to vector<512xf32>
    %broadcast_in_dim3A_1026 = vector.shape_cast %reduce_sum3A_1025 : vector<512xf32> to vector<1x512xf32>
    %mul3A_1027 = arith.mulf %slice3A_61, %slice3A_49 : vector<32x512xf32>
    %reduce_sum3A_1028 = arith.constant dense<0.000000e+00> : vector<512xf32>
    %reduce_sum3A_1029 = vector.multi_reduction <add>, %mul3A_1027, %reduce_sum3A_1028 [0] : vector<32x512xf32> to vector<512xf32>
    %broadcast_in_dim3A_1030 = vector.shape_cast %reduce_sum3A_1029 : vector<512xf32> to vector<1x512xf32>
    %mul3A_1031 = arith.mulf %slice3A_61, %slice3A_50 : vector<32x512xf32>
    %reduce_sum3A_1032 = arith.constant dense<0.000000e+00> : vector<512xf32>
    %reduce_sum3A_1033 = vector.multi_reduction <add>, %mul3A_1031, %reduce_sum3A_1032 [0] : vector<32x512xf32> to vector<512xf32>
    %broadcast_in_dim3A_1034 = vector.shape_cast %reduce_sum3A_1033 : vector<512xf32> to vector<1x512xf32>
    %mul3A_1035 = arith.mulf %slice3A_61, %slice3A_51 : vector<32x512xf32>
    %reduce_sum3A_1036 = arith.constant dense<0.000000e+00> : vector<512xf32>
    %reduce_sum3A_1037 = vector.multi_reduction <add>, %mul3A_1035, %reduce_sum3A_1036 [0] : vector<32x512xf32> to vector<512xf32>
    %broadcast_in_dim3A_1038 = vector.shape_cast %reduce_sum3A_1037 : vector<512xf32> to vector<1x512xf32>
    %mul3A_1039 = arith.mulf %slice3A_61, %slice3A_52 : vector<32x512xf32>
    %reduce_sum3A_1040 = arith.constant dense<0.000000e+00> : vector<512xf32>
    %reduce_sum3A_1041 = vector.multi_reduction <add>, %mul3A_1039, %reduce_sum3A_1040 [0] : vector<32x512xf32> to vector<512xf32>
    %broadcast_in_dim3A_1042 = vector.shape_cast %reduce_sum3A_1041 : vector<512xf32> to vector<1x512xf32>
    %mul3A_1043 = arith.mulf %slice3A_61, %slice3A_53 : vector<32x512xf32>
    %reduce_sum3A_1044 = arith.constant dense<0.000000e+00> : vector<512xf32>
    %reduce_sum3A_1045 = vector.multi_reduction <add>, %mul3A_1043, %reduce_sum3A_1044 [0] : vector<32x512xf32> to vector<512xf32>
    %broadcast_in_dim3A_1046 = vector.shape_cast %reduce_sum3A_1045 : vector<512xf32> to vector<1x512xf32>
    %mul3A_1047 = arith.mulf %slice3A_61, %slice3A_54 : vector<32x512xf32>
    %reduce_sum3A_1048 = arith.constant dense<0.000000e+00> : vector<512xf32>
    %reduce_sum3A_1049 = vector.multi_reduction <add>, %mul3A_1047, %reduce_sum3A_1048 [0] : vector<32x512xf32> to vector<512xf32>
    %broadcast_in_dim3A_1050 = vector.shape_cast %reduce_sum3A_1049 : vector<512xf32> to vector<1x512xf32>
    %mul3A_1051 = arith.mulf %slice3A_61, %slice3A_55 : vector<32x512xf32>
    %reduce_sum3A_1052 = arith.constant dense<0.000000e+00> : vector<512xf32>
    %reduce_sum3A_1053 = vector.multi_reduction <add>, %mul3A_1051, %reduce_sum3A_1052 [0] : vector<32x512xf32> to vector<512xf32>
    %broadcast_in_dim3A_1054 = vector.shape_cast %reduce_sum3A_1053 : vector<512xf32> to vector<1x512xf32>
    %mul3A_1055 = arith.mulf %slice3A_61, %slice3A_56 : vector<32x512xf32>
    %reduce_sum3A_1056 = arith.constant dense<0.000000e+00> : vector<512xf32>
    %reduce_sum3A_1057 = vector.multi_reduction <add>, %mul3A_1055, %reduce_sum3A_1056 [0] : vector<32x512xf32> to vector<512xf32>
    %broadcast_in_dim3A_1058 = vector.shape_cast %reduce_sum3A_1057 : vector<512xf32> to vector<1x512xf32>
    %mul3A_1059 = arith.mulf %slice3A_61, %slice3A_57 : vector<32x512xf32>
    %reduce_sum3A_1060 = arith.constant dense<0.000000e+00> : vector<512xf32>
    %reduce_sum3A_1061 = vector.multi_reduction <add>, %mul3A_1059, %reduce_sum3A_1060 [0] : vector<32x512xf32> to vector<512xf32>
    %broadcast_in_dim3A_1062 = vector.shape_cast %reduce_sum3A_1061 : vector<512xf32> to vector<1x512xf32>
    %mul3A_1063 = arith.mulf %slice3A_61, %slice3A_58 : vector<32x512xf32>
    %reduce_sum3A_1064 = arith.constant dense<0.000000e+00> : vector<512xf32>
    %reduce_sum3A_1065 = vector.multi_reduction <add>, %mul3A_1063, %reduce_sum3A_1064 [0] : vector<32x512xf32> to vector<512xf32>
    %broadcast_in_dim3A_1066 = vector.shape_cast %reduce_sum3A_1065 : vector<512xf32> to vector<1x512xf32>
    %mul3A_1067 = arith.mulf %slice3A_61, %slice3A_59 : vector<32x512xf32>
    %reduce_sum3A_1068 = arith.constant dense<0.000000e+00> : vector<512xf32>
    %reduce_sum3A_1069 = vector.multi_reduction <add>, %mul3A_1067, %reduce_sum3A_1068 [0] : vector<32x512xf32> to vector<512xf32>
    %broadcast_in_dim3A_1070 = vector.shape_cast %reduce_sum3A_1069 : vector<512xf32> to vector<1x512xf32>
    %mul3A_1071 = arith.mulf %slice3A_61, %slice3A_60 : vector<32x512xf32>
    %reduce_sum3A_1072 = arith.constant dense<0.000000e+00> : vector<512xf32>
    %reduce_sum3A_1073 = vector.multi_reduction <add>, %mul3A_1071, %reduce_sum3A_1072 [0] : vector<32x512xf32> to vector<512xf32>
    %broadcast_in_dim3A_1074 = vector.shape_cast %reduce_sum3A_1073 : vector<512xf32> to vector<1x512xf32>
    %mul3A_1075 = arith.mulf %slice3A_62, %max3A_37 : vector<32x512xf32>
    %reduce_sum3A_1076 = arith.constant dense<0.000000e+00> : vector<512xf32>
    %reduce_sum3A_1077 = vector.multi_reduction <add>, %mul3A_1075, %reduce_sum3A_1076 [0] : vector<32x512xf32> to vector<512xf32>
    %broadcast_in_dim3A_1078 = vector.shape_cast %reduce_sum3A_1077 : vector<512xf32> to vector<1x512xf32>
    %mul3A_1079 = arith.mulf %slice3A_62, %slice3A : vector<32x512xf32>
    %reduce_sum3A_1080 = arith.constant dense<0.000000e+00> : vector<512xf32>
    %reduce_sum3A_1081 = vector.multi_reduction <add>, %mul3A_1079, %reduce_sum3A_1080 [0] : vector<32x512xf32> to vector<512xf32>
    %broadcast_in_dim3A_1082 = vector.shape_cast %reduce_sum3A_1081 : vector<512xf32> to vector<1x512xf32>
    %mul3A_1083 = arith.mulf %slice3A_62, %slice3A_41 : vector<32x512xf32>
    %reduce_sum3A_1084 = arith.constant dense<0.000000e+00> : vector<512xf32>
    %reduce_sum3A_1085 = vector.multi_reduction <add>, %mul3A_1083, %reduce_sum3A_1084 [0] : vector<32x512xf32> to vector<512xf32>
    %broadcast_in_dim3A_1086 = vector.shape_cast %reduce_sum3A_1085 : vector<512xf32> to vector<1x512xf32>
    %mul3A_1087 = arith.mulf %slice3A_62, %slice3A_42 : vector<32x512xf32>
    %reduce_sum3A_1088 = arith.constant dense<0.000000e+00> : vector<512xf32>
    %reduce_sum3A_1089 = vector.multi_reduction <add>, %mul3A_1087, %reduce_sum3A_1088 [0] : vector<32x512xf32> to vector<512xf32>
    %broadcast_in_dim3A_1090 = vector.shape_cast %reduce_sum3A_1089 : vector<512xf32> to vector<1x512xf32>
    %mul3A_1091 = arith.mulf %slice3A_62, %slice3A_43 : vector<32x512xf32>
    %reduce_sum3A_1092 = arith.constant dense<0.000000e+00> : vector<512xf32>
    %reduce_sum3A_1093 = vector.multi_reduction <add>, %mul3A_1091, %reduce_sum3A_1092 [0] : vector<32x512xf32> to vector<512xf32>
    %broadcast_in_dim3A_1094 = vector.shape_cast %reduce_sum3A_1093 : vector<512xf32> to vector<1x512xf32>
    %mul3A_1095 = arith.mulf %slice3A_62, %slice3A_44 : vector<32x512xf32>
    %reduce_sum3A_1096 = arith.constant dense<0.000000e+00> : vector<512xf32>
    %reduce_sum3A_1097 = vector.multi_reduction <add>, %mul3A_1095, %reduce_sum3A_1096 [0] : vector<32x512xf32> to vector<512xf32>
    %broadcast_in_dim3A_1098 = vector.shape_cast %reduce_sum3A_1097 : vector<512xf32> to vector<1x512xf32>
    %mul3A_1099 = arith.mulf %slice3A_62, %slice3A_45 : vector<32x512xf32>
    %reduce_sum3A_1100 = arith.constant dense<0.000000e+00> : vector<512xf32>
    %reduce_sum3A_1101 = vector.multi_reduction <add>, %mul3A_1099, %reduce_sum3A_1100 [0] : vector<32x512xf32> to vector<512xf32>
    %broadcast_in_dim3A_1102 = vector.shape_cast %reduce_sum3A_1101 : vector<512xf32> to vector<1x512xf32>
    %mul3A_1103 = arith.mulf %slice3A_62, %slice3A_46 : vector<32x512xf32>
    %reduce_sum3A_1104 = arith.constant dense<0.000000e+00> : vector<512xf32>
    %reduce_sum3A_1105 = vector.multi_reduction <add>, %mul3A_1103, %reduce_sum3A_1104 [0] : vector<32x512xf32> to vector<512xf32>
    %broadcast_in_dim3A_1106 = vector.shape_cast %reduce_sum3A_1105 : vector<512xf32> to vector<1x512xf32>
    %mul3A_1107 = arith.mulf %slice3A_62, %slice3A_47 : vector<32x512xf32>
    %reduce_sum3A_1108 = arith.constant dense<0.000000e+00> : vector<512xf32>
    %reduce_sum3A_1109 = vector.multi_reduction <add>, %mul3A_1107, %reduce_sum3A_1108 [0] : vector<32x512xf32> to vector<512xf32>
    %broadcast_in_dim3A_1110 = vector.shape_cast %reduce_sum3A_1109 : vector<512xf32> to vector<1x512xf32>
    %mul3A_1111 = arith.mulf %slice3A_62, %slice3A_48 : vector<32x512xf32>
    %reduce_sum3A_1112 = arith.constant dense<0.000000e+00> : vector<512xf32>
    %reduce_sum3A_1113 = vector.multi_reduction <add>, %mul3A_1111, %reduce_sum3A_1112 [0] : vector<32x512xf32> to vector<512xf32>
    %broadcast_in_dim3A_1114 = vector.shape_cast %reduce_sum3A_1113 : vector<512xf32> to vector<1x512xf32>
    %mul3A_1115 = arith.mulf %slice3A_62, %slice3A_49 : vector<32x512xf32>
    %reduce_sum3A_1116 = arith.constant dense<0.000000e+00> : vector<512xf32>
    %reduce_sum3A_1117 = vector.multi_reduction <add>, %mul3A_1115, %reduce_sum3A_1116 [0] : vector<32x512xf32> to vector<512xf32>
    %broadcast_in_dim3A_1118 = vector.shape_cast %reduce_sum3A_1117 : vector<512xf32> to vector<1x512xf32>
    %mul3A_1119 = arith.mulf %slice3A_62, %slice3A_50 : vector<32x512xf32>
    %reduce_sum3A_1120 = arith.constant dense<0.000000e+00> : vector<512xf32>
    %reduce_sum3A_1121 = vector.multi_reduction <add>, %mul3A_1119, %reduce_sum3A_1120 [0] : vector<32x512xf32> to vector<512xf32>
    %broadcast_in_dim3A_1122 = vector.shape_cast %reduce_sum3A_1121 : vector<512xf32> to vector<1x512xf32>
    %mul3A_1123 = arith.mulf %slice3A_62, %slice3A_51 : vector<32x512xf32>
    %reduce_sum3A_1124 = arith.constant dense<0.000000e+00> : vector<512xf32>
    %reduce_sum3A_1125 = vector.multi_reduction <add>, %mul3A_1123, %reduce_sum3A_1124 [0] : vector<32x512xf32> to vector<512xf32>
    %broadcast_in_dim3A_1126 = vector.shape_cast %reduce_sum3A_1125 : vector<512xf32> to vector<1x512xf32>
    %mul3A_1127 = arith.mulf %slice3A_62, %slice3A_52 : vector<32x512xf32>
    %reduce_sum3A_1128 = arith.constant dense<0.000000e+00> : vector<512xf32>
    %reduce_sum3A_1129 = vector.multi_reduction <add>, %mul3A_1127, %reduce_sum3A_1128 [0] : vector<32x512xf32> to vector<512xf32>
    %broadcast_in_dim3A_1130 = vector.shape_cast %reduce_sum3A_1129 : vector<512xf32> to vector<1x512xf32>
    %mul3A_1131 = arith.mulf %slice3A_62, %slice3A_53 : vector<32x512xf32>
    %reduce_sum3A_1132 = arith.constant dense<0.000000e+00> : vector<512xf32>
    %reduce_sum3A_1133 = vector.multi_reduction <add>, %mul3A_1131, %reduce_sum3A_1132 [0] : vector<32x512xf32> to vector<512xf32>
    %broadcast_in_dim3A_1134 = vector.shape_cast %reduce_sum3A_1133 : vector<512xf32> to vector<1x512xf32>
    %mul3A_1135 = arith.mulf %slice3A_62, %slice3A_54 : vector<32x512xf32>
    %reduce_sum3A_1136 = arith.constant dense<0.000000e+00> : vector<512xf32>
    %reduce_sum3A_1137 = vector.multi_reduction <add>, %mul3A_1135, %reduce_sum3A_1136 [0] : vector<32x512xf32> to vector<512xf32>
    %broadcast_in_dim3A_1138 = vector.shape_cast %reduce_sum3A_1137 : vector<512xf32> to vector<1x512xf32>
    %mul3A_1139 = arith.mulf %slice3A_62, %slice3A_55 : vector<32x512xf32>
    %reduce_sum3A_1140 = arith.constant dense<0.000000e+00> : vector<512xf32>
    %reduce_sum3A_1141 = vector.multi_reduction <add>, %mul3A_1139, %reduce_sum3A_1140 [0] : vector<32x512xf32> to vector<512xf32>
    %broadcast_in_dim3A_1142 = vector.shape_cast %reduce_sum3A_1141 : vector<512xf32> to vector<1x512xf32>
    %mul3A_1143 = arith.mulf %slice3A_62, %slice3A_56 : vector<32x512xf32>
    %reduce_sum3A_1144 = arith.constant dense<0.000000e+00> : vector<512xf32>
    %reduce_sum3A_1145 = vector.multi_reduction <add>, %mul3A_1143, %reduce_sum3A_1144 [0] : vector<32x512xf32> to vector<512xf32>
    %broadcast_in_dim3A_1146 = vector.shape_cast %reduce_sum3A_1145 : vector<512xf32> to vector<1x512xf32>
    %mul3A_1147 = arith.mulf %slice3A_62, %slice3A_57 : vector<32x512xf32>
    %reduce_sum3A_1148 = arith.constant dense<0.000000e+00> : vector<512xf32>
    %reduce_sum3A_1149 = vector.multi_reduction <add>, %mul3A_1147, %reduce_sum3A_1148 [0] : vector<32x512xf32> to vector<512xf32>
    %broadcast_in_dim3A_1150 = vector.shape_cast %reduce_sum3A_1149 : vector<512xf32> to vector<1x512xf32>
    %mul3A_1151 = arith.mulf %slice3A_62, %slice3A_58 : vector<32x512xf32>
    %reduce_sum3A_1152 = arith.constant dense<0.000000e+00> : vector<512xf32>
    %reduce_sum3A_1153 = vector.multi_reduction <add>, %mul3A_1151, %reduce_sum3A_1152 [0] : vector<32x512xf32> to vector<512xf32>
    %broadcast_in_dim3A_1154 = vector.shape_cast %reduce_sum3A_1153 : vector<512xf32> to vector<1x512xf32>
    %mul3A_1155 = arith.mulf %slice3A_62, %slice3A_59 : vector<32x512xf32>
    %reduce_sum3A_1156 = arith.constant dense<0.000000e+00> : vector<512xf32>
    %reduce_sum3A_1157 = vector.multi_reduction <add>, %mul3A_1155, %reduce_sum3A_1156 [0] : vector<32x512xf32> to vector<512xf32>
    %broadcast_in_dim3A_1158 = vector.shape_cast %reduce_sum3A_1157 : vector<512xf32> to vector<1x512xf32>
    %mul3A_1159 = arith.mulf %slice3A_62, %slice3A_60 : vector<32x512xf32>
    %reduce_sum3A_1160 = arith.constant dense<0.000000e+00> : vector<512xf32>
    %reduce_sum3A_1161 = vector.multi_reduction <add>, %mul3A_1159, %reduce_sum3A_1160 [0] : vector<32x512xf32> to vector<512xf32>
    %broadcast_in_dim3A_1162 = vector.shape_cast %reduce_sum3A_1161 : vector<512xf32> to vector<1x512xf32>
    %mul3A_1163 = arith.mulf %slice3A_62, %slice3A_61 : vector<32x512xf32>
    %reduce_sum3A_1164 = arith.constant dense<0.000000e+00> : vector<512xf32>
    %reduce_sum3A_1165 = vector.multi_reduction <add>, %mul3A_1163, %reduce_sum3A_1164 [0] : vector<32x512xf32> to vector<512xf32>
    %broadcast_in_dim3A_1166 = vector.shape_cast %reduce_sum3A_1165 : vector<512xf32> to vector<1x512xf32>
    %mul3A_1167 = arith.mulf %slice3A_63, %max3A_37 : vector<32x512xf32>
    %reduce_sum3A_1168 = arith.constant dense<0.000000e+00> : vector<512xf32>
    %reduce_sum3A_1169 = vector.multi_reduction <add>, %mul3A_1167, %reduce_sum3A_1168 [0] : vector<32x512xf32> to vector<512xf32>
    %broadcast_in_dim3A_1170 = vector.shape_cast %reduce_sum3A_1169 : vector<512xf32> to vector<1x512xf32>
    %mul3A_1171 = arith.mulf %slice3A_63, %slice3A : vector<32x512xf32>
    %reduce_sum3A_1172 = arith.constant dense<0.000000e+00> : vector<512xf32>
    %reduce_sum3A_1173 = vector.multi_reduction <add>, %mul3A_1171, %reduce_sum3A_1172 [0] : vector<32x512xf32> to vector<512xf32>
    %broadcast_in_dim3A_1174 = vector.shape_cast %reduce_sum3A_1173 : vector<512xf32> to vector<1x512xf32>
    %mul3A_1175 = arith.mulf %slice3A_63, %slice3A_41 : vector<32x512xf32>
    %reduce_sum3A_1176 = arith.constant dense<0.000000e+00> : vector<512xf32>
    %reduce_sum3A_1177 = vector.multi_reduction <add>, %mul3A_1175, %reduce_sum3A_1176 [0] : vector<32x512xf32> to vector<512xf32>
    %broadcast_in_dim3A_1178 = vector.shape_cast %reduce_sum3A_1177 : vector<512xf32> to vector<1x512xf32>
    %mul3A_1179 = arith.mulf %slice3A_63, %slice3A_42 : vector<32x512xf32>
    %reduce_sum3A_1180 = arith.constant dense<0.000000e+00> : vector<512xf32>
    %reduce_sum3A_1181 = vector.multi_reduction <add>, %mul3A_1179, %reduce_sum3A_1180 [0] : vector<32x512xf32> to vector<512xf32>
    %broadcast_in_dim3A_1182 = vector.shape_cast %reduce_sum3A_1181 : vector<512xf32> to vector<1x512xf32>
    %mul3A_1183 = arith.mulf %slice3A_63, %slice3A_43 : vector<32x512xf32>
    %reduce_sum3A_1184 = arith.constant dense<0.000000e+00> : vector<512xf32>
    %reduce_sum3A_1185 = vector.multi_reduction <add>, %mul3A_1183, %reduce_sum3A_1184 [0] : vector<32x512xf32> to vector<512xf32>
    %broadcast_in_dim3A_1186 = vector.shape_cast %reduce_sum3A_1185 : vector<512xf32> to vector<1x512xf32>
    %mul3A_1187 = arith.mulf %slice3A_63, %slice3A_44 : vector<32x512xf32>
    %reduce_sum3A_1188 = arith.constant dense<0.000000e+00> : vector<512xf32>
    %reduce_sum3A_1189 = vector.multi_reduction <add>, %mul3A_1187, %reduce_sum3A_1188 [0] : vector<32x512xf32> to vector<512xf32>
    %broadcast_in_dim3A_1190 = vector.shape_cast %reduce_sum3A_1189 : vector<512xf32> to vector<1x512xf32>
    %mul3A_1191 = arith.mulf %slice3A_63, %slice3A_45 : vector<32x512xf32>
    %reduce_sum3A_1192 = arith.constant dense<0.000000e+00> : vector<512xf32>
    %reduce_sum3A_1193 = vector.multi_reduction <add>, %mul3A_1191, %reduce_sum3A_1192 [0] : vector<32x512xf32> to vector<512xf32>
    %broadcast_in_dim3A_1194 = vector.shape_cast %reduce_sum3A_1193 : vector<512xf32> to vector<1x512xf32>
    %mul3A_1195 = arith.mulf %slice3A_63, %slice3A_46 : vector<32x512xf32>
    %reduce_sum3A_1196 = arith.constant dense<0.000000e+00> : vector<512xf32>
    %reduce_sum3A_1197 = vector.multi_reduction <add>, %mul3A_1195, %reduce_sum3A_1196 [0] : vector<32x512xf32> to vector<512xf32>
    %broadcast_in_dim3A_1198 = vector.shape_cast %reduce_sum3A_1197 : vector<512xf32> to vector<1x512xf32>
    %mul3A_1199 = arith.mulf %slice3A_63, %slice3A_47 : vector<32x512xf32>
    %reduce_sum3A_1200 = arith.constant dense<0.000000e+00> : vector<512xf32>
    %reduce_sum3A_1201 = vector.multi_reduction <add>, %mul3A_1199, %reduce_sum3A_1200 [0] : vector<32x512xf32> to vector<512xf32>
    %broadcast_in_dim3A_1202 = vector.shape_cast %reduce_sum3A_1201 : vector<512xf32> to vector<1x512xf32>
    %mul3A_1203 = arith.mulf %slice3A_63, %slice3A_48 : vector<32x512xf32>
    %reduce_sum3A_1204 = arith.constant dense<0.000000e+00> : vector<512xf32>
    %reduce_sum3A_1205 = vector.multi_reduction <add>, %mul3A_1203, %reduce_sum3A_1204 [0] : vector<32x512xf32> to vector<512xf32>
    %broadcast_in_dim3A_1206 = vector.shape_cast %reduce_sum3A_1205 : vector<512xf32> to vector<1x512xf32>
    %mul3A_1207 = arith.mulf %slice3A_63, %slice3A_49 : vector<32x512xf32>
    %reduce_sum3A_1208 = arith.constant dense<0.000000e+00> : vector<512xf32>
    %reduce_sum3A_1209 = vector.multi_reduction <add>, %mul3A_1207, %reduce_sum3A_1208 [0] : vector<32x512xf32> to vector<512xf32>
    %broadcast_in_dim3A_1210 = vector.shape_cast %reduce_sum3A_1209 : vector<512xf32> to vector<1x512xf32>
    %mul3A_1211 = arith.mulf %slice3A_63, %slice3A_50 : vector<32x512xf32>
    %reduce_sum3A_1212 = arith.constant dense<0.000000e+00> : vector<512xf32>
    %reduce_sum3A_1213 = vector.multi_reduction <add>, %mul3A_1211, %reduce_sum3A_1212 [0] : vector<32x512xf32> to vector<512xf32>
    %broadcast_in_dim3A_1214 = vector.shape_cast %reduce_sum3A_1213 : vector<512xf32> to vector<1x512xf32>
    %mul3A_1215 = arith.mulf %slice3A_63, %slice3A_51 : vector<32x512xf32>
    %reduce_sum3A_1216 = arith.constant dense<0.000000e+00> : vector<512xf32>
    %reduce_sum3A_1217 = vector.multi_reduction <add>, %mul3A_1215, %reduce_sum3A_1216 [0] : vector<32x512xf32> to vector<512xf32>
    %broadcast_in_dim3A_1218 = vector.shape_cast %reduce_sum3A_1217 : vector<512xf32> to vector<1x512xf32>
    %mul3A_1219 = arith.mulf %slice3A_63, %slice3A_52 : vector<32x512xf32>
    %reduce_sum3A_1220 = arith.constant dense<0.000000e+00> : vector<512xf32>
    %reduce_sum3A_1221 = vector.multi_reduction <add>, %mul3A_1219, %reduce_sum3A_1220 [0] : vector<32x512xf32> to vector<512xf32>
    %broadcast_in_dim3A_1222 = vector.shape_cast %reduce_sum3A_1221 : vector<512xf32> to vector<1x512xf32>
    %mul3A_1223 = arith.mulf %slice3A_63, %slice3A_53 : vector<32x512xf32>
    %reduce_sum3A_1224 = arith.constant dense<0.000000e+00> : vector<512xf32>
    %reduce_sum3A_1225 = vector.multi_reduction <add>, %mul3A_1223, %reduce_sum3A_1224 [0] : vector<32x512xf32> to vector<512xf32>
    %broadcast_in_dim3A_1226 = vector.shape_cast %reduce_sum3A_1225 : vector<512xf32> to vector<1x512xf32>
    %mul3A_1227 = arith.mulf %slice3A_63, %slice3A_54 : vector<32x512xf32>
    %reduce_sum3A_1228 = arith.constant dense<0.000000e+00> : vector<512xf32>
    %reduce_sum3A_1229 = vector.multi_reduction <add>, %mul3A_1227, %reduce_sum3A_1228 [0] : vector<32x512xf32> to vector<512xf32>
    %broadcast_in_dim3A_1230 = vector.shape_cast %reduce_sum3A_1229 : vector<512xf32> to vector<1x512xf32>
    %mul3A_1231 = arith.mulf %slice3A_63, %slice3A_55 : vector<32x512xf32>
    %reduce_sum3A_1232 = arith.constant dense<0.000000e+00> : vector<512xf32>
    %reduce_sum3A_1233 = vector.multi_reduction <add>, %mul3A_1231, %reduce_sum3A_1232 [0] : vector<32x512xf32> to vector<512xf32>
    %broadcast_in_dim3A_1234 = vector.shape_cast %reduce_sum3A_1233 : vector<512xf32> to vector<1x512xf32>
    %mul3A_1235 = arith.mulf %slice3A_63, %slice3A_56 : vector<32x512xf32>
    %reduce_sum3A_1236 = arith.constant dense<0.000000e+00> : vector<512xf32>
    %reduce_sum3A_1237 = vector.multi_reduction <add>, %mul3A_1235, %reduce_sum3A_1236 [0] : vector<32x512xf32> to vector<512xf32>
    %broadcast_in_dim3A_1238 = vector.shape_cast %reduce_sum3A_1237 : vector<512xf32> to vector<1x512xf32>
    %mul3A_1239 = arith.mulf %slice3A_63, %slice3A_57 : vector<32x512xf32>
    %reduce_sum3A_1240 = arith.constant dense<0.000000e+00> : vector<512xf32>
    %reduce_sum3A_1241 = vector.multi_reduction <add>, %mul3A_1239, %reduce_sum3A_1240 [0] : vector<32x512xf32> to vector<512xf32>
    %broadcast_in_dim3A_1242 = vector.shape_cast %reduce_sum3A_1241 : vector<512xf32> to vector<1x512xf32>
    %mul3A_1243 = arith.mulf %slice3A_63, %slice3A_58 : vector<32x512xf32>
    %reduce_sum3A_1244 = arith.constant dense<0.000000e+00> : vector<512xf32>
    %reduce_sum3A_1245 = vector.multi_reduction <add>, %mul3A_1243, %reduce_sum3A_1244 [0] : vector<32x512xf32> to vector<512xf32>
    %broadcast_in_dim3A_1246 = vector.shape_cast %reduce_sum3A_1245 : vector<512xf32> to vector<1x512xf32>
    %mul3A_1247 = arith.mulf %slice3A_63, %slice3A_59 : vector<32x512xf32>
    %reduce_sum3A_1248 = arith.constant dense<0.000000e+00> : vector<512xf32>
    %reduce_sum3A_1249 = vector.multi_reduction <add>, %mul3A_1247, %reduce_sum3A_1248 [0] : vector<32x512xf32> to vector<512xf32>
    %broadcast_in_dim3A_1250 = vector.shape_cast %reduce_sum3A_1249 : vector<512xf32> to vector<1x512xf32>
    %mul3A_1251 = arith.mulf %slice3A_63, %slice3A_60 : vector<32x512xf32>
    %reduce_sum3A_1252 = arith.constant dense<0.000000e+00> : vector<512xf32>
    %reduce_sum3A_1253 = vector.multi_reduction <add>, %mul3A_1251, %reduce_sum3A_1252 [0] : vector<32x512xf32> to vector<512xf32>
    %broadcast_in_dim3A_1254 = vector.shape_cast %reduce_sum3A_1253 : vector<512xf32> to vector<1x512xf32>
    %mul3A_1255 = arith.mulf %slice3A_63, %slice3A_61 : vector<32x512xf32>
    %reduce_sum3A_1256 = arith.constant dense<0.000000e+00> : vector<512xf32>
    %reduce_sum3A_1257 = vector.multi_reduction <add>, %mul3A_1255, %reduce_sum3A_1256 [0] : vector<32x512xf32> to vector<512xf32>
    %broadcast_in_dim3A_1258 = vector.shape_cast %reduce_sum3A_1257 : vector<512xf32> to vector<1x512xf32>
    %mul3A_1259 = arith.mulf %slice3A_63, %slice3A_62 : vector<32x512xf32>
    %reduce_sum3A_1260 = arith.constant dense<0.000000e+00> : vector<512xf32>
    %reduce_sum3A_1261 = vector.multi_reduction <add>, %mul3A_1259, %reduce_sum3A_1260 [0] : vector<32x512xf32> to vector<512xf32>
    %broadcast_in_dim3A_1262 = vector.shape_cast %reduce_sum3A_1261 : vector<512xf32> to vector<1x512xf32>
    %mul3A_1263 = arith.mulf %slice3A_64, %max3A_37 : vector<32x512xf32>
    %reduce_sum3A_1264 = arith.constant dense<0.000000e+00> : vector<512xf32>
    %reduce_sum3A_1265 = vector.multi_reduction <add>, %mul3A_1263, %reduce_sum3A_1264 [0] : vector<32x512xf32> to vector<512xf32>
    %broadcast_in_dim3A_1266 = vector.shape_cast %reduce_sum3A_1265 : vector<512xf32> to vector<1x512xf32>
    %mul3A_1267 = arith.mulf %slice3A_64, %slice3A : vector<32x512xf32>
    %reduce_sum3A_1268 = arith.constant dense<0.000000e+00> : vector<512xf32>
    %reduce_sum3A_1269 = vector.multi_reduction <add>, %mul3A_1267, %reduce_sum3A_1268 [0] : vector<32x512xf32> to vector<512xf32>
    %broadcast_in_dim3A_1270 = vector.shape_cast %reduce_sum3A_1269 : vector<512xf32> to vector<1x512xf32>
    %mul3A_1271 = arith.mulf %slice3A_64, %slice3A_41 : vector<32x512xf32>
    %reduce_sum3A_1272 = arith.constant dense<0.000000e+00> : vector<512xf32>
    %reduce_sum3A_1273 = vector.multi_reduction <add>, %mul3A_1271, %reduce_sum3A_1272 [0] : vector<32x512xf32> to vector<512xf32>
    %broadcast_in_dim3A_1274 = vector.shape_cast %reduce_sum3A_1273 : vector<512xf32> to vector<1x512xf32>
    %mul3A_1275 = arith.mulf %slice3A_64, %slice3A_42 : vector<32x512xf32>
    %reduce_sum3A_1276 = arith.constant dense<0.000000e+00> : vector<512xf32>
    %reduce_sum3A_1277 = vector.multi_reduction <add>, %mul3A_1275, %reduce_sum3A_1276 [0] : vector<32x512xf32> to vector<512xf32>
    %broadcast_in_dim3A_1278 = vector.shape_cast %reduce_sum3A_1277 : vector<512xf32> to vector<1x512xf32>
    %mul3A_1279 = arith.mulf %slice3A_64, %slice3A_43 : vector<32x512xf32>
    %reduce_sum3A_1280 = arith.constant dense<0.000000e+00> : vector<512xf32>
    %reduce_sum3A_1281 = vector.multi_reduction <add>, %mul3A_1279, %reduce_sum3A_1280 [0] : vector<32x512xf32> to vector<512xf32>
    %broadcast_in_dim3A_1282 = vector.shape_cast %reduce_sum3A_1281 : vector<512xf32> to vector<1x512xf32>
    %mul3A_1283 = arith.mulf %slice3A_64, %slice3A_44 : vector<32x512xf32>
    %reduce_sum3A_1284 = arith.constant dense<0.000000e+00> : vector<512xf32>
    %reduce_sum3A_1285 = vector.multi_reduction <add>, %mul3A_1283, %reduce_sum3A_1284 [0] : vector<32x512xf32> to vector<512xf32>
    %broadcast_in_dim3A_1286 = vector.shape_cast %reduce_sum3A_1285 : vector<512xf32> to vector<1x512xf32>
    %mul3A_1287 = arith.mulf %slice3A_64, %slice3A_45 : vector<32x512xf32>
    %reduce_sum3A_1288 = arith.constant dense<0.000000e+00> : vector<512xf32>
    %reduce_sum3A_1289 = vector.multi_reduction <add>, %mul3A_1287, %reduce_sum3A_1288 [0] : vector<32x512xf32> to vector<512xf32>
    %broadcast_in_dim3A_1290 = vector.shape_cast %reduce_sum3A_1289 : vector<512xf32> to vector<1x512xf32>
    %mul3A_1291 = arith.mulf %slice3A_64, %slice3A_46 : vector<32x512xf32>
    %reduce_sum3A_1292 = arith.constant dense<0.000000e+00> : vector<512xf32>
    %reduce_sum3A_1293 = vector.multi_reduction <add>, %mul3A_1291, %reduce_sum3A_1292 [0] : vector<32x512xf32> to vector<512xf32>
    %broadcast_in_dim3A_1294 = vector.shape_cast %reduce_sum3A_1293 : vector<512xf32> to vector<1x512xf32>
    %mul3A_1295 = arith.mulf %slice3A_64, %slice3A_47 : vector<32x512xf32>
    %reduce_sum3A_1296 = arith.constant dense<0.000000e+00> : vector<512xf32>
    %reduce_sum3A_1297 = vector.multi_reduction <add>, %mul3A_1295, %reduce_sum3A_1296 [0] : vector<32x512xf32> to vector<512xf32>
    %broadcast_in_dim3A_1298 = vector.shape_cast %reduce_sum3A_1297 : vector<512xf32> to vector<1x512xf32>
    %mul3A_1299 = arith.mulf %slice3A_64, %slice3A_48 : vector<32x512xf32>
    %reduce_sum3A_1300 = arith.constant dense<0.000000e+00> : vector<512xf32>
    %reduce_sum3A_1301 = vector.multi_reduction <add>, %mul3A_1299, %reduce_sum3A_1300 [0] : vector<32x512xf32> to vector<512xf32>
    %broadcast_in_dim3A_1302 = vector.shape_cast %reduce_sum3A_1301 : vector<512xf32> to vector<1x512xf32>
    %mul3A_1303 = arith.mulf %slice3A_64, %slice3A_49 : vector<32x512xf32>
    %reduce_sum3A_1304 = arith.constant dense<0.000000e+00> : vector<512xf32>
    %reduce_sum3A_1305 = vector.multi_reduction <add>, %mul3A_1303, %reduce_sum3A_1304 [0] : vector<32x512xf32> to vector<512xf32>
    %broadcast_in_dim3A_1306 = vector.shape_cast %reduce_sum3A_1305 : vector<512xf32> to vector<1x512xf32>
    %mul3A_1307 = arith.mulf %slice3A_64, %slice3A_50 : vector<32x512xf32>
    %reduce_sum3A_1308 = arith.constant dense<0.000000e+00> : vector<512xf32>
    %reduce_sum3A_1309 = vector.multi_reduction <add>, %mul3A_1307, %reduce_sum3A_1308 [0] : vector<32x512xf32> to vector<512xf32>
    %broadcast_in_dim3A_1310 = vector.shape_cast %reduce_sum3A_1309 : vector<512xf32> to vector<1x512xf32>
    %mul3A_1311 = arith.mulf %slice3A_64, %slice3A_51 : vector<32x512xf32>
    %reduce_sum3A_1312 = arith.constant dense<0.000000e+00> : vector<512xf32>
    %reduce_sum3A_1313 = vector.multi_reduction <add>, %mul3A_1311, %reduce_sum3A_1312 [0] : vector<32x512xf32> to vector<512xf32>
    %broadcast_in_dim3A_1314 = vector.shape_cast %reduce_sum3A_1313 : vector<512xf32> to vector<1x512xf32>
    %mul3A_1315 = arith.mulf %slice3A_64, %slice3A_52 : vector<32x512xf32>
    %reduce_sum3A_1316 = arith.constant dense<0.000000e+00> : vector<512xf32>
    %reduce_sum3A_1317 = vector.multi_reduction <add>, %mul3A_1315, %reduce_sum3A_1316 [0] : vector<32x512xf32> to vector<512xf32>
    %broadcast_in_dim3A_1318 = vector.shape_cast %reduce_sum3A_1317 : vector<512xf32> to vector<1x512xf32>
    %mul3A_1319 = arith.mulf %slice3A_64, %slice3A_53 : vector<32x512xf32>
    %reduce_sum3A_1320 = arith.constant dense<0.000000e+00> : vector<512xf32>
    %reduce_sum3A_1321 = vector.multi_reduction <add>, %mul3A_1319, %reduce_sum3A_1320 [0] : vector<32x512xf32> to vector<512xf32>
    %broadcast_in_dim3A_1322 = vector.shape_cast %reduce_sum3A_1321 : vector<512xf32> to vector<1x512xf32>
    %mul3A_1323 = arith.mulf %slice3A_64, %slice3A_54 : vector<32x512xf32>
    %reduce_sum3A_1324 = arith.constant dense<0.000000e+00> : vector<512xf32>
    %reduce_sum3A_1325 = vector.multi_reduction <add>, %mul3A_1323, %reduce_sum3A_1324 [0] : vector<32x512xf32> to vector<512xf32>
    %broadcast_in_dim3A_1326 = vector.shape_cast %reduce_sum3A_1325 : vector<512xf32> to vector<1x512xf32>
    %mul3A_1327 = arith.mulf %slice3A_64, %slice3A_55 : vector<32x512xf32>
    %reduce_sum3A_1328 = arith.constant dense<0.000000e+00> : vector<512xf32>
    %reduce_sum3A_1329 = vector.multi_reduction <add>, %mul3A_1327, %reduce_sum3A_1328 [0] : vector<32x512xf32> to vector<512xf32>
    %broadcast_in_dim3A_1330 = vector.shape_cast %reduce_sum3A_1329 : vector<512xf32> to vector<1x512xf32>
    %mul3A_1331 = arith.mulf %slice3A_64, %slice3A_56 : vector<32x512xf32>
    %reduce_sum3A_1332 = arith.constant dense<0.000000e+00> : vector<512xf32>
    %reduce_sum3A_1333 = vector.multi_reduction <add>, %mul3A_1331, %reduce_sum3A_1332 [0] : vector<32x512xf32> to vector<512xf32>
    %broadcast_in_dim3A_1334 = vector.shape_cast %reduce_sum3A_1333 : vector<512xf32> to vector<1x512xf32>
    %mul3A_1335 = arith.mulf %slice3A_64, %slice3A_57 : vector<32x512xf32>
    %reduce_sum3A_1336 = arith.constant dense<0.000000e+00> : vector<512xf32>
    %reduce_sum3A_1337 = vector.multi_reduction <add>, %mul3A_1335, %reduce_sum3A_1336 [0] : vector<32x512xf32> to vector<512xf32>
    %broadcast_in_dim3A_1338 = vector.shape_cast %reduce_sum3A_1337 : vector<512xf32> to vector<1x512xf32>
    %mul3A_1339 = arith.mulf %slice3A_64, %slice3A_58 : vector<32x512xf32>
    %reduce_sum3A_1340 = arith.constant dense<0.000000e+00> : vector<512xf32>
    %reduce_sum3A_1341 = vector.multi_reduction <add>, %mul3A_1339, %reduce_sum3A_1340 [0] : vector<32x512xf32> to vector<512xf32>
    %broadcast_in_dim3A_1342 = vector.shape_cast %reduce_sum3A_1341 : vector<512xf32> to vector<1x512xf32>
    %mul3A_1343 = arith.mulf %slice3A_64, %slice3A_59 : vector<32x512xf32>
    %reduce_sum3A_1344 = arith.constant dense<0.000000e+00> : vector<512xf32>
    %reduce_sum3A_1345 = vector.multi_reduction <add>, %mul3A_1343, %reduce_sum3A_1344 [0] : vector<32x512xf32> to vector<512xf32>
    %broadcast_in_dim3A_1346 = vector.shape_cast %reduce_sum3A_1345 : vector<512xf32> to vector<1x512xf32>
    %mul3A_1347 = arith.mulf %slice3A_64, %slice3A_60 : vector<32x512xf32>
    %reduce_sum3A_1348 = arith.constant dense<0.000000e+00> : vector<512xf32>
    %reduce_sum3A_1349 = vector.multi_reduction <add>, %mul3A_1347, %reduce_sum3A_1348 [0] : vector<32x512xf32> to vector<512xf32>
    %broadcast_in_dim3A_1350 = vector.shape_cast %reduce_sum3A_1349 : vector<512xf32> to vector<1x512xf32>
    %mul3A_1351 = arith.mulf %slice3A_64, %slice3A_61 : vector<32x512xf32>
    %reduce_sum3A_1352 = arith.constant dense<0.000000e+00> : vector<512xf32>
    %reduce_sum3A_1353 = vector.multi_reduction <add>, %mul3A_1351, %reduce_sum3A_1352 [0] : vector<32x512xf32> to vector<512xf32>
    %broadcast_in_dim3A_1354 = vector.shape_cast %reduce_sum3A_1353 : vector<512xf32> to vector<1x512xf32>
    %mul3A_1355 = arith.mulf %slice3A_64, %slice3A_62 : vector<32x512xf32>
    %reduce_sum3A_1356 = arith.constant dense<0.000000e+00> : vector<512xf32>
    %reduce_sum3A_1357 = vector.multi_reduction <add>, %mul3A_1355, %reduce_sum3A_1356 [0] : vector<32x512xf32> to vector<512xf32>
    %broadcast_in_dim3A_1358 = vector.shape_cast %reduce_sum3A_1357 : vector<512xf32> to vector<1x512xf32>
    %mul3A_1359 = arith.mulf %slice3A_64, %slice3A_63 : vector<32x512xf32>
    %reduce_sum3A_1360 = arith.constant dense<0.000000e+00> : vector<512xf32>
    %reduce_sum3A_1361 = vector.multi_reduction <add>, %mul3A_1359, %reduce_sum3A_1360 [0] : vector<32x512xf32> to vector<512xf32>
    %broadcast_in_dim3A_1362 = vector.shape_cast %reduce_sum3A_1361 : vector<512xf32> to vector<1x512xf32>
    %mul3A_1363 = arith.mulf %slice3A_65, %max3A_37 : vector<32x512xf32>
    %reduce_sum3A_1364 = arith.constant dense<0.000000e+00> : vector<512xf32>
    %reduce_sum3A_1365 = vector.multi_reduction <add>, %mul3A_1363, %reduce_sum3A_1364 [0] : vector<32x512xf32> to vector<512xf32>
    %broadcast_in_dim3A_1366 = vector.shape_cast %reduce_sum3A_1365 : vector<512xf32> to vector<1x512xf32>
    %mul3A_1367 = arith.mulf %slice3A_65, %slice3A : vector<32x512xf32>
    %reduce_sum3A_1368 = arith.constant dense<0.000000e+00> : vector<512xf32>
    %reduce_sum3A_1369 = vector.multi_reduction <add>, %mul3A_1367, %reduce_sum3A_1368 [0] : vector<32x512xf32> to vector<512xf32>
    %broadcast_in_dim3A_1370 = vector.shape_cast %reduce_sum3A_1369 : vector<512xf32> to vector<1x512xf32>
    %mul3A_1371 = arith.mulf %slice3A_65, %slice3A_41 : vector<32x512xf32>
    %reduce_sum3A_1372 = arith.constant dense<0.000000e+00> : vector<512xf32>
    %reduce_sum3A_1373 = vector.multi_reduction <add>, %mul3A_1371, %reduce_sum3A_1372 [0] : vector<32x512xf32> to vector<512xf32>
    %broadcast_in_dim3A_1374 = vector.shape_cast %reduce_sum3A_1373 : vector<512xf32> to vector<1x512xf32>
    %mul3A_1375 = arith.mulf %slice3A_65, %slice3A_42 : vector<32x512xf32>
    %reduce_sum3A_1376 = arith.constant dense<0.000000e+00> : vector<512xf32>
    %reduce_sum3A_1377 = vector.multi_reduction <add>, %mul3A_1375, %reduce_sum3A_1376 [0] : vector<32x512xf32> to vector<512xf32>
    %broadcast_in_dim3A_1378 = vector.shape_cast %reduce_sum3A_1377 : vector<512xf32> to vector<1x512xf32>
    %mul3A_1379 = arith.mulf %slice3A_65, %slice3A_43 : vector<32x512xf32>
    %reduce_sum3A_1380 = arith.constant dense<0.000000e+00> : vector<512xf32>
    %reduce_sum3A_1381 = vector.multi_reduction <add>, %mul3A_1379, %reduce_sum3A_1380 [0] : vector<32x512xf32> to vector<512xf32>
    %broadcast_in_dim3A_1382 = vector.shape_cast %reduce_sum3A_1381 : vector<512xf32> to vector<1x512xf32>
    %mul3A_1383 = arith.mulf %slice3A_65, %slice3A_44 : vector<32x512xf32>
    %reduce_sum3A_1384 = arith.constant dense<0.000000e+00> : vector<512xf32>
    %reduce_sum3A_1385 = vector.multi_reduction <add>, %mul3A_1383, %reduce_sum3A_1384 [0] : vector<32x512xf32> to vector<512xf32>
    %broadcast_in_dim3A_1386 = vector.shape_cast %reduce_sum3A_1385 : vector<512xf32> to vector<1x512xf32>
    %mul3A_1387 = arith.mulf %slice3A_65, %slice3A_45 : vector<32x512xf32>
    %reduce_sum3A_1388 = arith.constant dense<0.000000e+00> : vector<512xf32>
    %reduce_sum3A_1389 = vector.multi_reduction <add>, %mul3A_1387, %reduce_sum3A_1388 [0] : vector<32x512xf32> to vector<512xf32>
    %broadcast_in_dim3A_1390 = vector.shape_cast %reduce_sum3A_1389 : vector<512xf32> to vector<1x512xf32>
    %mul3A_1391 = arith.mulf %slice3A_65, %slice3A_46 : vector<32x512xf32>
    %reduce_sum3A_1392 = arith.constant dense<0.000000e+00> : vector<512xf32>
    %reduce_sum3A_1393 = vector.multi_reduction <add>, %mul3A_1391, %reduce_sum3A_1392 [0] : vector<32x512xf32> to vector<512xf32>
    %broadcast_in_dim3A_1394 = vector.shape_cast %reduce_sum3A_1393 : vector<512xf32> to vector<1x512xf32>
    %mul3A_1395 = arith.mulf %slice3A_65, %slice3A_47 : vector<32x512xf32>
    %reduce_sum3A_1396 = arith.constant dense<0.000000e+00> : vector<512xf32>
    %reduce_sum3A_1397 = vector.multi_reduction <add>, %mul3A_1395, %reduce_sum3A_1396 [0] : vector<32x512xf32> to vector<512xf32>
    %broadcast_in_dim3A_1398 = vector.shape_cast %reduce_sum3A_1397 : vector<512xf32> to vector<1x512xf32>
    %mul3A_1399 = arith.mulf %slice3A_65, %slice3A_48 : vector<32x512xf32>
    %reduce_sum3A_1400 = arith.constant dense<0.000000e+00> : vector<512xf32>
    %reduce_sum3A_1401 = vector.multi_reduction <add>, %mul3A_1399, %reduce_sum3A_1400 [0] : vector<32x512xf32> to vector<512xf32>
    %broadcast_in_dim3A_1402 = vector.shape_cast %reduce_sum3A_1401 : vector<512xf32> to vector<1x512xf32>
    %mul3A_1403 = arith.mulf %slice3A_65, %slice3A_49 : vector<32x512xf32>
    %reduce_sum3A_1404 = arith.constant dense<0.000000e+00> : vector<512xf32>
    %reduce_sum3A_1405 = vector.multi_reduction <add>, %mul3A_1403, %reduce_sum3A_1404 [0] : vector<32x512xf32> to vector<512xf32>
    %broadcast_in_dim3A_1406 = vector.shape_cast %reduce_sum3A_1405 : vector<512xf32> to vector<1x512xf32>
    %mul3A_1407 = arith.mulf %slice3A_65, %slice3A_50 : vector<32x512xf32>
    %reduce_sum3A_1408 = arith.constant dense<0.000000e+00> : vector<512xf32>
    %reduce_sum3A_1409 = vector.multi_reduction <add>, %mul3A_1407, %reduce_sum3A_1408 [0] : vector<32x512xf32> to vector<512xf32>
    %broadcast_in_dim3A_1410 = vector.shape_cast %reduce_sum3A_1409 : vector<512xf32> to vector<1x512xf32>
    %mul3A_1411 = arith.mulf %slice3A_65, %slice3A_51 : vector<32x512xf32>
    %reduce_sum3A_1412 = arith.constant dense<0.000000e+00> : vector<512xf32>
    %reduce_sum3A_1413 = vector.multi_reduction <add>, %mul3A_1411, %reduce_sum3A_1412 [0] : vector<32x512xf32> to vector<512xf32>
    %broadcast_in_dim3A_1414 = vector.shape_cast %reduce_sum3A_1413 : vector<512xf32> to vector<1x512xf32>
    %mul3A_1415 = arith.mulf %slice3A_65, %slice3A_52 : vector<32x512xf32>
    %reduce_sum3A_1416 = arith.constant dense<0.000000e+00> : vector<512xf32>
    %reduce_sum3A_1417 = vector.multi_reduction <add>, %mul3A_1415, %reduce_sum3A_1416 [0] : vector<32x512xf32> to vector<512xf32>
    %broadcast_in_dim3A_1418 = vector.shape_cast %reduce_sum3A_1417 : vector<512xf32> to vector<1x512xf32>
    %mul3A_1419 = arith.mulf %slice3A_65, %slice3A_53 : vector<32x512xf32>
    %reduce_sum3A_1420 = arith.constant dense<0.000000e+00> : vector<512xf32>
    %reduce_sum3A_1421 = vector.multi_reduction <add>, %mul3A_1419, %reduce_sum3A_1420 [0] : vector<32x512xf32> to vector<512xf32>
    %broadcast_in_dim3A_1422 = vector.shape_cast %reduce_sum3A_1421 : vector<512xf32> to vector<1x512xf32>
    %mul3A_1423 = arith.mulf %slice3A_65, %slice3A_54 : vector<32x512xf32>
    %reduce_sum3A_1424 = arith.constant dense<0.000000e+00> : vector<512xf32>
    %reduce_sum3A_1425 = vector.multi_reduction <add>, %mul3A_1423, %reduce_sum3A_1424 [0] : vector<32x512xf32> to vector<512xf32>
    %broadcast_in_dim3A_1426 = vector.shape_cast %reduce_sum3A_1425 : vector<512xf32> to vector<1x512xf32>
    %mul3A_1427 = arith.mulf %slice3A_65, %slice3A_55 : vector<32x512xf32>
    %reduce_sum3A_1428 = arith.constant dense<0.000000e+00> : vector<512xf32>
    %reduce_sum3A_1429 = vector.multi_reduction <add>, %mul3A_1427, %reduce_sum3A_1428 [0] : vector<32x512xf32> to vector<512xf32>
    %broadcast_in_dim3A_1430 = vector.shape_cast %reduce_sum3A_1429 : vector<512xf32> to vector<1x512xf32>
    %mul3A_1431 = arith.mulf %slice3A_65, %slice3A_56 : vector<32x512xf32>
    %reduce_sum3A_1432 = arith.constant dense<0.000000e+00> : vector<512xf32>
    %reduce_sum3A_1433 = vector.multi_reduction <add>, %mul3A_1431, %reduce_sum3A_1432 [0] : vector<32x512xf32> to vector<512xf32>
    %broadcast_in_dim3A_1434 = vector.shape_cast %reduce_sum3A_1433 : vector<512xf32> to vector<1x512xf32>
    %mul3A_1435 = arith.mulf %slice3A_65, %slice3A_57 : vector<32x512xf32>
    %reduce_sum3A_1436 = arith.constant dense<0.000000e+00> : vector<512xf32>
    %reduce_sum3A_1437 = vector.multi_reduction <add>, %mul3A_1435, %reduce_sum3A_1436 [0] : vector<32x512xf32> to vector<512xf32>
    %broadcast_in_dim3A_1438 = vector.shape_cast %reduce_sum3A_1437 : vector<512xf32> to vector<1x512xf32>
    %mul3A_1439 = arith.mulf %slice3A_65, %slice3A_58 : vector<32x512xf32>
    %reduce_sum3A_1440 = arith.constant dense<0.000000e+00> : vector<512xf32>
    %reduce_sum3A_1441 = vector.multi_reduction <add>, %mul3A_1439, %reduce_sum3A_1440 [0] : vector<32x512xf32> to vector<512xf32>
    %broadcast_in_dim3A_1442 = vector.shape_cast %reduce_sum3A_1441 : vector<512xf32> to vector<1x512xf32>
    %mul3A_1443 = arith.mulf %slice3A_65, %slice3A_59 : vector<32x512xf32>
    %reduce_sum3A_1444 = arith.constant dense<0.000000e+00> : vector<512xf32>
    %reduce_sum3A_1445 = vector.multi_reduction <add>, %mul3A_1443, %reduce_sum3A_1444 [0] : vector<32x512xf32> to vector<512xf32>
    %broadcast_in_dim3A_1446 = vector.shape_cast %reduce_sum3A_1445 : vector<512xf32> to vector<1x512xf32>
    %mul3A_1447 = arith.mulf %slice3A_65, %slice3A_60 : vector<32x512xf32>
    %reduce_sum3A_1448 = arith.constant dense<0.000000e+00> : vector<512xf32>
    %reduce_sum3A_1449 = vector.multi_reduction <add>, %mul3A_1447, %reduce_sum3A_1448 [0] : vector<32x512xf32> to vector<512xf32>
    %broadcast_in_dim3A_1450 = vector.shape_cast %reduce_sum3A_1449 : vector<512xf32> to vector<1x512xf32>
    %mul3A_1451 = arith.mulf %slice3A_65, %slice3A_61 : vector<32x512xf32>
    %reduce_sum3A_1452 = arith.constant dense<0.000000e+00> : vector<512xf32>
    %reduce_sum3A_1453 = vector.multi_reduction <add>, %mul3A_1451, %reduce_sum3A_1452 [0] : vector<32x512xf32> to vector<512xf32>
    %broadcast_in_dim3A_1454 = vector.shape_cast %reduce_sum3A_1453 : vector<512xf32> to vector<1x512xf32>
    %mul3A_1455 = arith.mulf %slice3A_65, %slice3A_62 : vector<32x512xf32>
    %reduce_sum3A_1456 = arith.constant dense<0.000000e+00> : vector<512xf32>
    %reduce_sum3A_1457 = vector.multi_reduction <add>, %mul3A_1455, %reduce_sum3A_1456 [0] : vector<32x512xf32> to vector<512xf32>
    %broadcast_in_dim3A_1458 = vector.shape_cast %reduce_sum3A_1457 : vector<512xf32> to vector<1x512xf32>
    %mul3A_1459 = arith.mulf %slice3A_65, %slice3A_63 : vector<32x512xf32>
    %reduce_sum3A_1460 = arith.constant dense<0.000000e+00> : vector<512xf32>
    %reduce_sum3A_1461 = vector.multi_reduction <add>, %mul3A_1459, %reduce_sum3A_1460 [0] : vector<32x512xf32> to vector<512xf32>
    %broadcast_in_dim3A_1462 = vector.shape_cast %reduce_sum3A_1461 : vector<512xf32> to vector<1x512xf32>
    %mul3A_1463 = arith.mulf %slice3A_65, %slice3A_64 : vector<32x512xf32>
    %reduce_sum3A_1464 = arith.constant dense<0.000000e+00> : vector<512xf32>
    %reduce_sum3A_1465 = vector.multi_reduction <add>, %mul3A_1463, %reduce_sum3A_1464 [0] : vector<32x512xf32> to vector<512xf32>
    %broadcast_in_dim3A_1466 = vector.shape_cast %reduce_sum3A_1465 : vector<512xf32> to vector<1x512xf32>
    %concatenate3A = tpu.concatenate %max3A_37, %broadcast_in_dim3A, %broadcast_in_dim3A_70, %broadcast_in_dim3A_74, %broadcast_in_dim3A_78, %broadcast_in_dim3A_82, %broadcast_in_dim3A_86, %broadcast_in_dim3A_90, %broadcast_in_dim3A_94, %broadcast_in_dim3A_98, %broadcast_in_dim3A_102, %broadcast_in_dim3A_106, %broadcast_in_dim3A_110, %broadcast_in_dim3A_114, %broadcast_in_dim3A_118, %broadcast_in_dim3A_122, %broadcast_in_dim3A_126, %broadcast_in_dim3A_130, %broadcast_in_dim3A_134, %broadcast_in_dim3A_138, %broadcast_in_dim3A_142, %broadcast_in_dim3A_146, %broadcast_in_dim3A_150, %broadcast_in_dim3A_154, %broadcast_in_dim3A_158, %broadcast_in_dim3A_162, %broadcast_in_dim3A_166, %broadcast_in_dim3A_170, %broadcast_in_dim3A_174, %broadcast_in_dim3A_178, %broadcast_in_dim3A_182, %broadcast_in_dim3A_186, %broadcast_in_dim3A_190, %broadcast_in_dim3A_194, %broadcast_in_dim3A_198, %broadcast_in_dim3A_202, %broadcast_in_dim3A_206, %broadcast_in_dim3A_210, %broadcast_in_dim3A_214, %broadcast_in_dim3A_218, %broadcast_in_dim3A_222, %broadcast_in_dim3A_226, %broadcast_in_dim3A_230, %broadcast_in_dim3A_234, %broadcast_in_dim3A_238, %broadcast_in_dim3A_242, %broadcast_in_dim3A_246, %broadcast_in_dim3A_250, %broadcast_in_dim3A_254, %broadcast_in_dim3A_258, %broadcast_in_dim3A_262, %broadcast_in_dim3A_266, %broadcast_in_dim3A_270, %broadcast_in_dim3A_274, %broadcast_in_dim3A_278, %broadcast_in_dim3A_282, %broadcast_in_dim3A_286, %broadcast_in_dim3A_290, %broadcast_in_dim3A_294, %broadcast_in_dim3A_298, %broadcast_in_dim3A_302, %broadcast_in_dim3A_306, %broadcast_in_dim3A_310, %broadcast_in_dim3A_314, %broadcast_in_dim3A_318, %broadcast_in_dim3A_322, %broadcast_in_dim3A_326, %broadcast_in_dim3A_330, %broadcast_in_dim3A_334, %broadcast_in_dim3A_338, %broadcast_in_dim3A_342, %broadcast_in_dim3A_346, %broadcast_in_dim3A_350, %broadcast_in_dim3A_354, %broadcast_in_dim3A_358, %broadcast_in_dim3A_362, %broadcast_in_dim3A_366, %broadcast_in_dim3A_370, %broadcast_in_dim3A_374, %broadcast_in_dim3A_378, %broadcast_in_dim3A_382, %broadcast_in_dim3A_386, %broadcast_in_dim3A_390, %broadcast_in_dim3A_394, %broadcast_in_dim3A_398, %broadcast_in_dim3A_402, %broadcast_in_dim3A_406, %broadcast_in_dim3A_410, %broadcast_in_dim3A_414, %broadcast_in_dim3A_418, %broadcast_in_dim3A_422, %broadcast_in_dim3A_426, %broadcast_in_dim3A_430, %broadcast_in_dim3A_434, %broadcast_in_dim3A_438, %broadcast_in_dim3A_442, %broadcast_in_dim3A_446, %broadcast_in_dim3A_450, %broadcast_in_dim3A_454, %broadcast_in_dim3A_458, %broadcast_in_dim3A_462, %broadcast_in_dim3A_466, %broadcast_in_dim3A_470, %broadcast_in_dim3A_474, %broadcast_in_dim3A_478, %broadcast_in_dim3A_482, %broadcast_in_dim3A_486, %broadcast_in_dim3A_490, %broadcast_in_dim3A_494, %broadcast_in_dim3A_498, %broadcast_in_dim3A_502, %broadcast_in_dim3A_506, %broadcast_in_dim3A_510, %broadcast_in_dim3A_514, %broadcast_in_dim3A_518, %broadcast_in_dim3A_522, %broadcast_in_dim3A_526, %broadcast_in_dim3A_530, %broadcast_in_dim3A_534, %broadcast_in_dim3A_538, %broadcast_in_dim3A_542, %broadcast_in_dim3A_546, %broadcast_in_dim3A_550, %broadcast_in_dim3A_554, %broadcast_in_dim3A_558, %broadcast_in_dim3A_562, %broadcast_in_dim3A_566, %broadcast_in_dim3A_570, %broadcast_in_dim3A_574, %broadcast_in_dim3A_578, %broadcast_in_dim3A_582, %broadcast_in_dim3A_586, %broadcast_in_dim3A_590, %broadcast_in_dim3A_594, %broadcast_in_dim3A_598, %broadcast_in_dim3A_602, %broadcast_in_dim3A_606, %broadcast_in_dim3A_610, %broadcast_in_dim3A_614, %broadcast_in_dim3A_618, %broadcast_in_dim3A_622, %broadcast_in_dim3A_626, %broadcast_in_dim3A_630, %broadcast_in_dim3A_634, %broadcast_in_dim3A_638, %broadcast_in_dim3A_642, %broadcast_in_dim3A_646, %broadcast_in_dim3A_650, %broadcast_in_dim3A_654, %broadcast_in_dim3A_658, %broadcast_in_dim3A_662, %broadcast_in_dim3A_666, %broadcast_in_dim3A_670, %broadcast_in_dim3A_674, %broadcast_in_dim3A_678, %broadcast_in_dim3A_682, %broadcast_in_dim3A_686, %broadcast_in_dim3A_690, %broadcast_in_dim3A_694, %broadcast_in_dim3A_698, %broadcast_in_dim3A_702, %broadcast_in_dim3A_706, %broadcast_in_dim3A_710, %broadcast_in_dim3A_714, %broadcast_in_dim3A_718, %broadcast_in_dim3A_722, %broadcast_in_dim3A_726, %broadcast_in_dim3A_730, %broadcast_in_dim3A_734, %broadcast_in_dim3A_738, %broadcast_in_dim3A_742, %broadcast_in_dim3A_746, %broadcast_in_dim3A_750, %broadcast_in_dim3A_754, %broadcast_in_dim3A_758, %broadcast_in_dim3A_762, %broadcast_in_dim3A_766, %broadcast_in_dim3A_770, %broadcast_in_dim3A_774, %broadcast_in_dim3A_778, %broadcast_in_dim3A_782, %broadcast_in_dim3A_786, %broadcast_in_dim3A_790, %broadcast_in_dim3A_794, %broadcast_in_dim3A_798, %broadcast_in_dim3A_802, %broadcast_in_dim3A_806, %broadcast_in_dim3A_810, %broadcast_in_dim3A_814, %broadcast_in_dim3A_818, %broadcast_in_dim3A_822, %broadcast_in_dim3A_826, %broadcast_in_dim3A_830, %broadcast_in_dim3A_834, %broadcast_in_dim3A_838, %broadcast_in_dim3A_842, %broadcast_in_dim3A_846, %broadcast_in_dim3A_850, %broadcast_in_dim3A_854, %broadcast_in_dim3A_858, %broadcast_in_dim3A_862, %broadcast_in_dim3A_866, %broadcast_in_dim3A_870, %broadcast_in_dim3A_874, %broadcast_in_dim3A_878, %broadcast_in_dim3A_882, %broadcast_in_dim3A_886, %broadcast_in_dim3A_890, %broadcast_in_dim3A_894, %broadcast_in_dim3A_898, %broadcast_in_dim3A_902, %broadcast_in_dim3A_906, %broadcast_in_dim3A_910, %broadcast_in_dim3A_914, %broadcast_in_dim3A_918, %broadcast_in_dim3A_922, %broadcast_in_dim3A_926, %broadcast_in_dim3A_930, %broadcast_in_dim3A_934, %broadcast_in_dim3A_938, %broadcast_in_dim3A_942, %broadcast_in_dim3A_946, %broadcast_in_dim3A_950, %broadcast_in_dim3A_954, %broadcast_in_dim3A_958, %broadcast_in_dim3A_962, %broadcast_in_dim3A_966, %broadcast_in_dim3A_970, %broadcast_in_dim3A_974, %broadcast_in_dim3A_978, %broadcast_in_dim3A_982, %broadcast_in_dim3A_986, %broadcast_in_dim3A_990, %broadcast_in_dim3A_994, %broadcast_in_dim3A_998, %broadcast_in_dim3A_1002, %broadcast_in_dim3A_1006, %broadcast_in_dim3A_1010, %broadcast_in_dim3A_1014, %broadcast_in_dim3A_1018, %broadcast_in_dim3A_1022, %broadcast_in_dim3A_1026, %broadcast_in_dim3A_1030, %broadcast_in_dim3A_1034, %broadcast_in_dim3A_1038, %broadcast_in_dim3A_1042, %broadcast_in_dim3A_1046, %broadcast_in_dim3A_1050, %broadcast_in_dim3A_1054, %broadcast_in_dim3A_1058, %broadcast_in_dim3A_1062, %broadcast_in_dim3A_1066, %broadcast_in_dim3A_1070, %broadcast_in_dim3A_1074, %broadcast_in_dim3A_1078, %broadcast_in_dim3A_1082, %broadcast_in_dim3A_1086, %broadcast_in_dim3A_1090, %broadcast_in_dim3A_1094, %broadcast_in_dim3A_1098, %broadcast_in_dim3A_1102, %broadcast_in_dim3A_1106, %broadcast_in_dim3A_1110, %broadcast_in_dim3A_1114, %broadcast_in_dim3A_1118, %broadcast_in_dim3A_1122, %broadcast_in_dim3A_1126, %broadcast_in_dim3A_1130, %broadcast_in_dim3A_1134, %broadcast_in_dim3A_1138, %broadcast_in_dim3A_1142, %broadcast_in_dim3A_1146, %broadcast_in_dim3A_1150, %broadcast_in_dim3A_1154, %broadcast_in_dim3A_1158, %broadcast_in_dim3A_1162, %broadcast_in_dim3A_1166, %broadcast_in_dim3A_1170, %broadcast_in_dim3A_1174, %broadcast_in_dim3A_1178, %broadcast_in_dim3A_1182, %broadcast_in_dim3A_1186, %broadcast_in_dim3A_1190, %broadcast_in_dim3A_1194, %broadcast_in_dim3A_1198, %broadcast_in_dim3A_1202, %broadcast_in_dim3A_1206, %broadcast_in_dim3A_1210, %broadcast_in_dim3A_1214, %broadcast_in_dim3A_1218, %broadcast_in_dim3A_1222, %broadcast_in_dim3A_1226, %broadcast_in_dim3A_1230, %broadcast_in_dim3A_1234, %broadcast_in_dim3A_1238, %broadcast_in_dim3A_1242, %broadcast_in_dim3A_1246, %broadcast_in_dim3A_1250, %broadcast_in_dim3A_1254, %broadcast_in_dim3A_1258, %broadcast_in_dim3A_1262, %broadcast_in_dim3A_1266, %broadcast_in_dim3A_1270, %broadcast_in_dim3A_1274, %broadcast_in_dim3A_1278, %broadcast_in_dim3A_1282, %broadcast_in_dim3A_1286, %broadcast_in_dim3A_1290, %broadcast_in_dim3A_1294, %broadcast_in_dim3A_1298, %broadcast_in_dim3A_1302, %broadcast_in_dim3A_1306, %broadcast_in_dim3A_1310, %broadcast_in_dim3A_1314, %broadcast_in_dim3A_1318, %broadcast_in_dim3A_1322, %broadcast_in_dim3A_1326, %broadcast_in_dim3A_1330, %broadcast_in_dim3A_1334, %broadcast_in_dim3A_1338, %broadcast_in_dim3A_1342, %broadcast_in_dim3A_1346, %broadcast_in_dim3A_1350, %broadcast_in_dim3A_1354, %broadcast_in_dim3A_1358, %broadcast_in_dim3A_1362, %broadcast_in_dim3A_1366, %broadcast_in_dim3A_1370, %broadcast_in_dim3A_1374, %broadcast_in_dim3A_1378, %broadcast_in_dim3A_1382, %broadcast_in_dim3A_1386, %broadcast_in_dim3A_1390, %broadcast_in_dim3A_1394, %broadcast_in_dim3A_1398, %broadcast_in_dim3A_1402, %broadcast_in_dim3A_1406, %broadcast_in_dim3A_1410, %broadcast_in_dim3A_1414, %broadcast_in_dim3A_1418, %broadcast_in_dim3A_1422, %broadcast_in_dim3A_1426, %broadcast_in_dim3A_1430, %broadcast_in_dim3A_1434, %broadcast_in_dim3A_1438, %broadcast_in_dim3A_1442, %broadcast_in_dim3A_1446, %broadcast_in_dim3A_1450, %broadcast_in_dim3A_1454, %broadcast_in_dim3A_1458, %broadcast_in_dim3A_1462, %broadcast_in_dim3A_1466 in 0 : vector<32x512xf32>, vector<1x512xf32>, vector<1x512xf32>, vector<1x512xf32>, vector<1x512xf32>, vector<1x512xf32>, vector<1x512xf32>, vector<1x512xf32>, vector<1x512xf32>, vector<1x512xf32>, vector<1x512xf32>, vector<1x512xf32>, vector<1x512xf32>, vector<1x512xf32>, vector<1x512xf32>, vector<1x512xf32>, vector<1x512xf32>, vector<1x512xf32>, vector<1x512xf32>, vector<1x512xf32>, vector<1x512xf32>, vector<1x512xf32>, vector<1x512xf32>, vector<1x512xf32>, vector<1x512xf32>, vector<1x512xf32>, vector<1x512xf32>, vector<1x512xf32>, vector<1x512xf32>, vector<1x512xf32>, vector<1x512xf32>, vector<1x512xf32>, vector<1x512xf32>, vector<1x512xf32>, vector<1x512xf32>, vector<1x512xf32>, vector<1x512xf32>, vector<1x512xf32>, vector<1x512xf32>, vector<1x512xf32>, vector<1x512xf32>, vector<1x512xf32>, vector<1x512xf32>, vector<1x512xf32>, vector<1x512xf32>, vector<1x512xf32>, vector<1x512xf32>, vector<1x512xf32>, vector<1x512xf32>, vector<1x512xf32>, vector<1x512xf32>, vector<1x512xf32>, vector<1x512xf32>, vector<1x512xf32>, vector<1x512xf32>, vector<1x512xf32>, vector<1x512xf32>, vector<1x512xf32>, vector<1x512xf32>, vector<1x512xf32>, vector<1x512xf32>, vector<1x512xf32>, vector<1x512xf32>, vector<1x512xf32>, vector<1x512xf32>, vector<1x512xf32>, vector<1x512xf32>, vector<1x512xf32>, vector<1x512xf32>, vector<1x512xf32>, vector<1x512xf32>, vector<1x512xf32>, vector<1x512xf32>, vector<1x512xf32>, vector<1x512xf32>, vector<1x512xf32>, vector<1x512xf32>, vector<1x512xf32>, vector<1x512xf32>, vector<1x512xf32>, vector<1x512xf32>, vector<1x512xf32>, vector<1x512xf32>, vector<1x512xf32>, vector<1x512xf32>, vector<1x512xf32>, vector<1x512xf32>, vector<1x512xf32>, vector<1x512xf32>, vector<1x512xf32>, vector<1x512xf32>, vector<1x512xf32>, vector<1x512xf32>, vector<1x512xf32>, vector<1x512xf32>, vector<1x512xf32>, vector<1x512xf32>, vector<1x512xf32>, vector<1x512xf32>, vector<1x512xf32>, vector<1x512xf32>, vector<1x512xf32>, vector<1x512xf32>, vector<1x512xf32>, vector<1x512xf32>, vector<1x512xf32>, vector<1x512xf32>, vector<1x512xf32>, vector<1x512xf32>, vector<1x512xf32>, vector<1x512xf32>, vector<1x512xf32>, vector<1x512xf32>, vector<1x512xf32>, vector<1x512xf32>, vector<1x512xf32>, vector<1x512xf32>, vector<1x512xf32>, vector<1x512xf32>, vector<1x512xf32>, vector<1x512xf32>, vector<1x512xf32>, vector<1x512xf32>, vector<1x512xf32>, vector<1x512xf32>, vector<1x512xf32>, vector<1x512xf32>, vector<1x512xf32>, vector<1x512xf32>, vector<1x512xf32>, vector<1x512xf32>, vector<1x512xf32>, vector<1x512xf32>, vector<1x512xf32>, vector<1x512xf32>, vector<1x512xf32>, vector<1x512xf32>, vector<1x512xf32>, vector<1x512xf32>, vector<1x512xf32>, vector<1x512xf32>, vector<1x512xf32>, vector<1x512xf32>, vector<1x512xf32>, vector<1x512xf32>, vector<1x512xf32>, vector<1x512xf32>, vector<1x512xf32>, vector<1x512xf32>, vector<1x512xf32>, vector<1x512xf32>, vector<1x512xf32>, vector<1x512xf32>, vector<1x512xf32>, vector<1x512xf32>, vector<1x512xf32>, vector<1x512xf32>, vector<1x512xf32>, vector<1x512xf32>, vector<1x512xf32>, vector<1x512xf32>, vector<1x512xf32>, vector<1x512xf32>, vector<1x512xf32>, vector<1x512xf32>, vector<1x512xf32>, vector<1x512xf32>, vector<1x512xf32>, vector<1x512xf32>, vector<1x512xf32>, vector<1x512xf32>, vector<1x512xf32>, vector<1x512xf32>, vector<1x512xf32>, vector<1x512xf32>, vector<1x512xf32>, vector<1x512xf32>, vector<1x512xf32>, vector<1x512xf32>, vector<1x512xf32>, vector<1x512xf32>, vector<1x512xf32>, vector<1x512xf32>, vector<1x512xf32>, vector<1x512xf32>, vector<1x512xf32>, vector<1x512xf32>, vector<1x512xf32>, vector<1x512xf32>, vector<1x512xf32>, vector<1x512xf32>, vector<1x512xf32>, vector<1x512xf32>, vector<1x512xf32>, vector<1x512xf32>, vector<1x512xf32>, vector<1x512xf32>, vector<1x512xf32>, vector<1x512xf32>, vector<1x512xf32>, vector<1x512xf32>, vector<1x512xf32>, vector<1x512xf32>, vector<1x512xf32>, vector<1x512xf32>, vector<1x512xf32>, vector<1x512xf32>, vector<1x512xf32>, vector<1x512xf32>, vector<1x512xf32>, vector<1x512xf32>, vector<1x512xf32>, vector<1x512xf32>, vector<1x512xf32>, vector<1x512xf32>, vector<1x512xf32>, vector<1x512xf32>, vector<1x512xf32>, vector<1x512xf32>, vector<1x512xf32>, vector<1x512xf32>, vector<1x512xf32>, vector<1x512xf32>, vector<1x512xf32>, vector<1x512xf32>, vector<1x512xf32>, vector<1x512xf32>, vector<1x512xf32>, vector<1x512xf32>, vector<1x512xf32>, vector<1x512xf32>, vector<1x512xf32>, vector<1x512xf32>, vector<1x512xf32>, vector<1x512xf32>, vector<1x512xf32>, vector<1x512xf32>, vector<1x512xf32>, vector<1x512xf32>, vector<1x512xf32>, vector<1x512xf32>, vector<1x512xf32>, vector<1x512xf32>, vector<1x512xf32>, vector<1x512xf32>, vector<1x512xf32>, vector<1x512xf32>, vector<1x512xf32>, vector<1x512xf32>, vector<1x512xf32>, vector<1x512xf32>, vector<1x512xf32>, vector<1x512xf32>, vector<1x512xf32>, vector<1x512xf32>, vector<1x512xf32>, vector<1x512xf32>, vector<1x512xf32>, vector<1x512xf32>, vector<1x512xf32>, vector<1x512xf32>, vector<1x512xf32>, vector<1x512xf32>, vector<1x512xf32>, vector<1x512xf32>, vector<1x512xf32>, vector<1x512xf32>, vector<1x512xf32>, vector<1x512xf32>, vector<1x512xf32>, vector<1x512xf32>, vector<1x512xf32>, vector<1x512xf32>, vector<1x512xf32>, vector<1x512xf32>, vector<1x512xf32>, vector<1x512xf32>, vector<1x512xf32>, vector<1x512xf32>, vector<1x512xf32>, vector<1x512xf32>, vector<1x512xf32>, vector<1x512xf32>, vector<1x512xf32>, vector<1x512xf32>, vector<1x512xf32>, vector<1x512xf32>, vector<1x512xf32>, vector<1x512xf32>, vector<1x512xf32>, vector<1x512xf32>, vector<1x512xf32>, vector<1x512xf32>, vector<1x512xf32>, vector<1x512xf32>, vector<1x512xf32>, vector<1x512xf32>, vector<1x512xf32>, vector<1x512xf32>, vector<1x512xf32>, vector<1x512xf32>, vector<1x512xf32>, vector<1x512xf32>, vector<1x512xf32>, vector<1x512xf32>, vector<1x512xf32>, vector<1x512xf32>, vector<1x512xf32>, vector<1x512xf32>, vector<1x512xf32>, vector<1x512xf32>, vector<1x512xf32>, vector<1x512xf32>, vector<1x512xf32>, vector<1x512xf32>, vector<1x512xf32>, vector<1x512xf32>, vector<1x512xf32>, vector<1x512xf32>, vector<1x512xf32>, vector<1x512xf32>, vector<1x512xf32>, vector<1x512xf32>, vector<1x512xf32>, vector<1x512xf32>, vector<1x512xf32>, vector<1x512xf32>, vector<1x512xf32>, vector<1x512xf32>, vector<1x512xf32>, vector<1x512xf32>, vector<1x512xf32>, vector<1x512xf32>, vector<1x512xf32>, vector<1x512xf32>, vector<1x512xf32>, vector<1x512xf32>, vector<1x512xf32>, vector<1x512xf32>, vector<1x512xf32>, vector<1x512xf32>, vector<1x512xf32>, vector<1x512xf32>, vector<1x512xf32>, vector<1x512xf32>, vector<1x512xf32>, vector<1x512xf32>, vector<1x512xf32>, vector<1x512xf32>, vector<1x512xf32>, vector<1x512xf32>, vector<1x512xf32> -> vector<383x512xf32>
    %get3A_1467 = arith.constant 0 : index
    %get3A_1468 = arith.constant 0 : index
    %get3A_1469 = vector.load %arg9[%get3A_1467, %get3A_1468] : memref<1024x383xf32, #tpu.memory_space<vmem>>, vector<1024x383xf32>
    %dot_general3A_1470 = arith.constant dense<0.000000e+00> : vector<1024x512xf32>
    %dot_general3A_1471 = tpu.matmul %get3A_1469, %concatenate3A, %dot_general3A_1470 {dimension_numbers = #tpu.dot_dimension_numbers<[1], [0], [0], [1], [0, 0, 1, 1], [], []>, transpose_lhs_hint = false} : vector<1024x383xf32>, vector<383x512xf32>, vector<1024x512xf32> -> vector<1024x512xf32>
    %get3A_1472 = arith.constant 0 : index
    %get3A_1473 = arith.constant 0 : index
    %get3A_1474 = vector.load %arg10[%get3A_1472, %get3A_1473] : memref<1024x1xf32, #tpu.memory_space<vmem>>, vector<1024x1xf32>
    %add3A_1475 = vector.broadcast %get3A_1474 : vector<1024x1xf32> to vector<1024x512xf32>
    %add3A_1476 = arith.addf %dot_general3A_1471, %add3A_1475 : vector<1024x512xf32>
    %max3A_1477 = arith.constant 0.000000e+00 : f32
    %max3A_1478 = vector.broadcast %max3A_1477 : f32 to vector<1024x512xf32>
    %max3A_1479 = arith.maximumf %add3A_1476, %max3A_1478 : vector<1024x512xf32>
    %get3A_1480 = arith.constant 0 : index
    %get3A_1481 = arith.constant 0 : index
    %get3A_1482 = vector.load %arg11[%get3A_1480, %get3A_1481] : memref<1024x1024xf32, #tpu.memory_space<vmem>>, vector<1024x1024xf32>
    %dot_general3A_1483 = arith.constant dense<0.000000e+00> : vector<1024x512xf32>
    %dot_general3A_1484 = tpu.matmul %get3A_1482, %max3A_1479, %dot_general3A_1483 {dimension_numbers = #tpu.dot_dimension_numbers<[1], [0], [0], [1], [0, 0, 1, 1], [], []>, transpose_lhs_hint = false} : vector<1024x1024xf32>, vector<1024x512xf32>, vector<1024x512xf32> -> vector<1024x512xf32>
    %get3A_1485 = arith.constant 0 : index
    %get3A_1486 = arith.constant 0 : index
    %get3A_1487 = vector.load %arg12[%get3A_1485, %get3A_1486] : memref<1024x1xf32, #tpu.memory_space<vmem>>, vector<1024x1xf32>
    %add3A_1488 = vector.broadcast %get3A_1487 : vector<1024x1xf32> to vector<1024x512xf32>
    %add3A_1489 = arith.addf %dot_general3A_1484, %add3A_1488 : vector<1024x512xf32>
    %max3A_1490 = arith.constant 0.000000e+00 : f32
    %max3A_1491 = vector.broadcast %max3A_1490 : f32 to vector<1024x512xf32>
    %max3A_1492 = arith.maximumf %add3A_1489, %max3A_1491 : vector<1024x512xf32>
    %get3A_1493 = arith.constant 0 : index
    %get3A_1494 = arith.constant 0 : index
    %get3A_1495 = vector.load %arg13[%get3A_1493, %get3A_1494] : memref<512x1024xf32, #tpu.memory_space<vmem>>, vector<512x1024xf32>
    %dot_general3A_1496 = arith.constant dense<0.000000e+00> : vector<512x512xf32>
    %dot_general3A_1497 = tpu.matmul %get3A_1495, %max3A_1492, %dot_general3A_1496 {dimension_numbers = #tpu.dot_dimension_numbers<[1], [0], [0], [1], [0, 0, 1, 1], [], []>, transpose_lhs_hint = false} : vector<512x1024xf32>, vector<1024x512xf32>, vector<512x512xf32> -> vector<512x512xf32>
    %get3A_1498 = arith.constant 0 : index
    %get3A_1499 = arith.constant 0 : index
    %get3A_1500 = vector.load %arg14[%get3A_1498, %get3A_1499] : memref<512x1xf32, #tpu.memory_space<vmem>>, vector<512x1xf32>
    %add3A_1501 = vector.broadcast %get3A_1500 : vector<512x1xf32> to vector<512x512xf32>
    %add3A_1502 = arith.addf %dot_general3A_1497, %add3A_1501 : vector<512x512xf32>
    %max3A_1503 = arith.constant 0.000000e+00 : f32
    %max3A_1504 = vector.broadcast %max3A_1503 : f32 to vector<512x512xf32>
    %max3A_1505 = arith.maximumf %add3A_1502, %max3A_1504 : vector<512x512xf32>
    %get3A_1506 = arith.constant 0 : index
    %get3A_1507 = arith.constant 0 : index
    %get3A_1508 = vector.load %arg15[%get3A_1506, %get3A_1507] : memref<256x512xf32, #tpu.memory_space<vmem>>, vector<256x512xf32>
    %dot_general3A_1509 = arith.constant dense<0.000000e+00> : vector<256x512xf32>
    %dot_general3A_1510 = tpu.matmul %get3A_1508, %max3A_1505, %dot_general3A_1509 {dimension_numbers = #tpu.dot_dimension_numbers<[1], [0], [0], [1], [0, 0, 1, 1], [], []>, transpose_lhs_hint = false} : vector<256x512xf32>, vector<512x512xf32>, vector<256x512xf32> -> vector<256x512xf32>
    %get3A_1511 = arith.constant 0 : index
    %get3A_1512 = arith.constant 0 : index
    %get3A_1513 = vector.load %arg16[%get3A_1511, %get3A_1512] : memref<256x1xf32, #tpu.memory_space<vmem>>, vector<256x1xf32>
    %add3A_1514 = vector.broadcast %get3A_1513 : vector<256x1xf32> to vector<256x512xf32>
    %add3A_1515 = arith.addf %dot_general3A_1510, %add3A_1514 : vector<256x512xf32>
    %max3A_1516 = arith.constant 0.000000e+00 : f32
    %max3A_1517 = vector.broadcast %max3A_1516 : f32 to vector<256x512xf32>
    %max3A_1518 = arith.maximumf %add3A_1515, %max3A_1517 : vector<256x512xf32>
    %get3A_1519 = arith.constant 0 : index
    %get3A_1520 = arith.constant 0 : index
    %get3A_1521 = vector.load %arg17[%get3A_1519, %get3A_1520] : memref<1x256xf32, #tpu.memory_space<vmem>>, vector<1x256xf32>
    %dot_general3A_1522 = arith.constant dense<0.000000e+00> : vector<1x512xf32>
    %dot_general3A_1523 = tpu.matmul %get3A_1521, %max3A_1518, %dot_general3A_1522 {dimension_numbers = #tpu.dot_dimension_numbers<[1], [0], [0], [1], [0, 0, 1, 1], [], []>, transpose_lhs_hint = false} : vector<1x256xf32>, vector<256x512xf32>, vector<1x512xf32> -> vector<1x512xf32>
    %get3A_1524 = arith.constant 0 : index
    %get3A_1525 = arith.constant 0 : index
    %get3A_1526 = vector.load %arg18[%get3A_1524, %get3A_1525] : memref<1x1xf32, #tpu.memory_space<vmem>>, vector<1x1xf32>
    %add3A_1527 = vector.broadcast %get3A_1526 : vector<1x1xf32> to vector<1x512xf32>
    %add3A_1528 = arith.addf %dot_general3A_1523, %add3A_1527 : vector<1x512xf32>
    %swap3A = arith.constant 0 : index
    %swap3A_1529 = arith.constant 0 : index
    %swap3A_1530 = vector.load %arg19[%swap3A, %swap3A_1529] : memref<1x512xf32, #tpu.memory_space<vmem>>, vector<1x512xf32>
    tpu.vector_store %arg19[%swap3A, %swap3A_1529], %add3A_1528 {strides = array<i32>} : memref<1x512xf32, #tpu.memory_space<vmem>>, vector<1x512xf32>,
    return
  }
  func.func @transform_0(%arg0: i32) -> (i32, i32) {
    %c0_i32 = arith.constant 0 : i32
    %c0_i32_0 = arith.constant 0 : i32
    return %c0_i32, %arg0 : i32, i32
  }
  func.func @transform_1(%arg0: i32) -> (i32, i32) {
    %c0_i32 = arith.constant 0 : i32
    %c0_i32_0 = arith.constant 0 : i32
    return %c0_i32, %arg0 : i32, i32
  }
  func.func @transform_2(%arg0: i32) -> (i32, i32) {
    %c0_i32 = arith.constant 0 : i32
    %c0_i32_0 = arith.constant 0 : i32
    %c0_i32_1 = arith.constant 0 : i32
    return %c0_i32, %c0_i32_0 : i32, i32
  }
  func.func @transform_3(%arg0: i32) -> (i32, i32) {
    %c0_i32 = arith.constant 0 : i32
    %c0_i32_0 = arith.constant 0 : i32
    %c0_i32_1 = arith.constant 0 : i32
    return %c0_i32, %c0_i32_0 : i32, i32
  }
  func.func @transform_4(%arg0: i32) -> (i32, i32) {
    %c0_i32 = arith.constant 0 : i32
    %c0_i32_0 = arith.constant 0 : i32
    %c0_i32_1 = arith.constant 0 : i32
    return %c0_i32, %c0_i32_0 : i32, i32
  }
  func.func @transform_5(%arg0: i32) -> (i32, i32) {
    %c0_i32 = arith.constant 0 : i32
    %c0_i32_0 = arith.constant 0 : i32
    %c0_i32_1 = arith.constant 0 : i32
    return %c0_i32, %c0_i32_0 : i32, i32
  }
  func.func @transform_6(%arg0: i32) -> (i32, i32) {
    %c0_i32 = arith.constant 0 : i32
    %c0_i32_0 = arith.constant 0 : i32
    %c0_i32_1 = arith.constant 0 : i32
    return %c0_i32, %c0_i32_0 : i32, i32
  }
  func.func @transform_7(%arg0: i32) -> (i32, i32) {
    %c0_i32 = arith.constant 0 : i32
    %c0_i32_0 = arith.constant 0 : i32
    %c0_i32_1 = arith.constant 0 : i32
    return %c0_i32, %c0_i32_0 : i32, i32
  }
  func.func @transform_8(%arg0: i32) -> (i32, i32) {
    %c0_i32 = arith.constant 0 : i32
    %c0_i32_0 = arith.constant 0 : i32
    %c0_i32_1 = arith.constant 0 : i32
    return %c0_i32, %c0_i32_0 : i32, i32
  }
  func.func @transform_9(%arg0: i32) -> (i32, i32) {
    %c0_i32 = arith.constant 0 : i32
    %c0_i32_0 = arith.constant 0 : i32
    %c0_i32_1 = arith.constant 0 : i32
    return %c0_i32, %c0_i32_0 : i32, i32
  }
  func.func @transform_10(%arg0: i32) -> (i32, i32) {
    %c0_i32 = arith.constant 0 : i32
    %c0_i32_0 = arith.constant 0 : i32
    %c0_i32_1 = arith.constant 0 : i32
    return %c0_i32, %c0_i32_0 : i32, i32
  }
  func.func @transform_11(%arg0: i32) -> (i32, i32) {
    %c0_i32 = arith.constant 0 : i32
    %c0_i32_0 = arith.constant 0 : i32
    %c0_i32_1 = arith.constant 0 : i32
    return %c0_i32, %c0_i32_0 : i32, i32
  }
  func.func @transform_12(%arg0: i32) -> (i32, i32) {
    %c0_i32 = arith.constant 0 : i32
    %c0_i32_0 = arith.constant 0 : i32
    %c0_i32_1 = arith.constant 0 : i32
    return %c0_i32, %c0_i32_0 : i32, i32
  }
  func.func @transform_13(%arg0: i32) -> (i32, i32) {
    %c0_i32 = arith.constant 0 : i32
    %c0_i32_0 = arith.constant 0 : i32
    %c0_i32_1 = arith.constant 0 : i32
    return %c0_i32, %c0_i32_0 : i32, i32
  }
  func.func @transform_14(%arg0: i32) -> (i32, i32) {
    %c0_i32 = arith.constant 0 : i32
    %c0_i32_0 = arith.constant 0 : i32
    %c0_i32_1 = arith.constant 0 : i32
    return %c0_i32, %c0_i32_0 : i32, i32
  }
  func.func @transform_15(%arg0: i32) -> (i32, i32) {
    %c0_i32 = arith.constant 0 : i32
    %c0_i32_0 = arith.constant 0 : i32
    %c0_i32_1 = arith.constant 0 : i32
    return %c0_i32, %c0_i32_0 : i32, i32
  }
  func.func @transform_16(%arg0: i32) -> (i32, i32) {
    %c0_i32 = arith.constant 0 : i32
    %c0_i32_0 = arith.constant 0 : i32
    %c0_i32_1 = arith.constant 0 : i32
    return %c0_i32, %c0_i32_0 : i32, i32
  }
  func.func @transform_17(%arg0: i32) -> (i32, i32) {
    %c0_i32 = arith.constant 0 : i32
    %c0_i32_0 = arith.constant 0 : i32
    %c0_i32_1 = arith.constant 0 : i32
    return %c0_i32, %c0_i32_0 : i32, i32
  }
  func.func @transform_18(%arg0: i32) -> (i32, i32) {
    %c0_i32 = arith.constant 0 : i32
    %c0_i32_0 = arith.constant 0 : i32
    return %c0_i32, %arg0 : i32, i32
  }
}

</mosaic_0001>

<sc_bundles>
// kernel: kernel.4.cloned.1.call-start
scs
__scs_entry_jumppad:
0x0: {  	(pc) =	sbr.rel $0x88, $3  }
0x1: {  	(tag) =	ssettag $0x0;
	lr =	simm.s32 $0x1  }
0x2: {  	[smem:$0x3F8E] =	sst lr;
	_ =	strace $0xD0000000  }
0x3: {  	_ = 	snop  }
0x4: {  	_ = 	snop  }
0x5: {  	_ = 	snop  }
0x6: {  	_ = 	snop  }
0x7: {  	_ = 	snop  }
__scs_overlays_trampoline_lowered:
0x8: {  	[smem:$0x3F9D] =	sst s0  }
0x9: {  	[smem:$0x3F9E] =	sst s1  }
0xa: {  	[smem:$0x3F9F] =	sst s2  }
0xb: {  	[smem:$0x3FA0] =	sst s3  }
0xc: {  	[smem:$0x3FA1] =	sst s4  }
0xd: {  	[smem:$0x3FA2] =	sst s5  }
0xe: {  	[smem:$0x3FA3] =	sst s6  }
0xf: {  	[smem:$0x3FA4] =	sst s7  }
0x10: {  	[smem:$0x3FA5] =	sst s8  }
0x11: {  	[smem:$0x3FA6] =	sst s9;
	s0 =	simm.s32 @!p0 $0x0  }
0x12: {  	s1 =	sld [smem:$0x3F8C];
	s0 =	simm.s32 @p0 $0x1  }
0x13: {  	[smem:$0x3FA7] =	sst s0;
	s0 =	simm.s32 @!p1 $0x0  }
0x14: {  	s2 =	sld [smem:$0x3F8B];
	s0 =	simm.s32 @p1 $0x1  }
0x15: {  	[smem:$0x3FA8] =	sst s0;
	s0 =	simm.s32 @!p2 $0x0  }
0x16: {  	s3 =	sld [smem:$0x3FDB];
	s0 =	simm.s32 @p2 $0x1  }
0x17: {  	s4 =	simm.s32 $0x1BF5;
	[smem:$0x3FAA] =	sst s0  }
0x18: {  	s0 =	sld [smem:$0x3F8D];
	_ =	swait.ge [sflag:s4], $0x0  }
0x19: {  	s7 =	sld [smem:$0x3F8E]  }
0x1a: {  	s8 =	sadd.s32 $0xFFFFE003, lr  }
0x1b: {  	s9 =	sadd.s32 $0xFFFFFEF7, lr;
	s5 =	simm.s32 $0xFFFFFFFF;
	p2 =	slt.u32 s8, $0xFFFFF086  }
0x1c: {  	p1 =	slt.u32 s9, $0xF7A;
	s5 =	simm.s32 @!p2 $0x0  }
0x1d: {  	s5 =	simm.s32 @p1 $0x1;
	p0 =	seq.s32 s7, s2  }
0x1e: {  	s7 =	smul.u32 @!p0 $0xF7A, s2;
	p2 =	seq.s32 @!p0 s5, $0x0  }
0x1f: {  	s9 =	smul.u32 $0xF7A, s1;
	s8 =	simm.s32 @!p0 $0x1BF5;
	p2 =	por !p2, p0  }
0x20: {  	[sflag:s8] =	ssyncset.s32 @!p0 $0xFFFFF086;
	s6 =	sadd.s32 @!p0 s3, s7;
	s7 =	simm.s32 @!p0 $0x108  }
0x21: {  	s3 =	sadd.s32 s3, s9;
	s6 =	sadd.s32 @!p0 $0x88, s6;
	s7 =	simm.s32 @p2 $0x1082  }
0x22: {  	[simem:s7], [sflag:s8] =	dma.local @!p0 [hbm:s6], $0xF7A  }
0x23: {  	s9 =	sor.u32 $0xD0000000, s2;
	s6 =	simm.s32 $0x108;
	_ =	swait.ge @!p0 [sflag:s8], $0x0  }
0x24: {  	s3 =	sadd.s32 $0x88, s3;
	s6 =	simm.s32 @!p1 $0x1082;
	[sflag:s4] =	ssyncset.s32 $0xFFFFF086  }
0x25: {  	[simem:s6], [sflag:s4] =	dma.local [hbm:s3], $0xF7A  }
0x26: {  	[smem:$0x3F8E] =	sst s1;
	(tag) =	ssettag s2;
	_ =	strace s9  }
0x27: {  	s1 =	sld [smem:$0x3F9E]  }
0x28: {  	s2 =	sld [smem:$0x3F9F]  }
0x29: {  	s4 =	sld [smem:$0x3FA1]  }
0x2a: {  	p0 =	seq.s32 s5, $0x0;
	s5 =	sld [smem:$0x3FA2]  }
0x2b: {  	s6 =	sld [smem:$0x3FA3]  }
0x2c: {  	s7 =	sld [smem:$0x3FA4]  }
0x2d: {  	s3 =	simm.s32 $0x108;
	s8 =	sld [smem:$0x3FA5]  }
0x2e: {  	s3 =	simm.s32 @!p0 $0x1082;
	s9 =	sld [smem:$0x3FA6]  }
0x2f: {  	lr =	sadd.s32 s0, s3;
	s0 =	sld [smem:$0x3F9D]  }
0x30: {  	s3 =	sld [smem:$0x3FA0]  }
0x31: {  	[smem:$0x3FA9] =	sst s10  }
0x32: {  	s10 =	sld [smem:$0x3FA7];
	_ =	sdelay $0x3  }
0x33: {  	p0 =	seq.s32 s10, $0x1;
	s10 =	sld [smem:$0x3FA9];
	_ =	sdelay $0x3  }
0x34: {  	[smem:$0x3FA9] =	sst s10  }
0x35: {  	s10 =	sld [smem:$0x3FA8];
	_ =	sdelay $0x3  }
0x36: {  	p1 =	seq.s32 s10, $0x1;
	s10 =	sld [smem:$0x3FA9];
	_ =	sdelay $0x3  }
0x37: {  	[smem:$0x3FA9] =	sst s10  }
0x38: {  	s10 =	sld [smem:$0x3FAA]  }
0x39: {  	_ = 	snop;
	(pc) =	sbr.ind lr, $3  }
0x3a: {  	_ = 	snop  }
0x3b: {  	_ = 	snop  }
0x3c: {  	p2 =	seq.s32 s10, $0x1;
	s10 =	sld [smem:$0x3FA9]  }
0x3d: {  	_ =	shalt  }
0x3e: {  	_ =	shalt  }
0x3f: {  	_ =	shalt  }
0x40: {  	_ =	shalt  }
0x41: {  	_ =	shalt  }
0x42: {  	_ =	shalt  }
0x43: {  	_ =	shalt  }
0x44: {  	_ =	shalt  }
0x45: {  	_ =	shalt  }
0x46: {  	_ =	shalt  }
0x47: {  	_ =	shalt  }
0x48: {  	_ =	shalt  }
0x49: {  	_ =	shalt  }
0x4a: {  	_ =	shalt  }
0x4b: {  	_ =	shalt  }
0x4c: {  	_ =	shalt  }
0x4d: {  	_ =	shalt  }
0x4e: {  	_ =	shalt  }
0x4f: {  	_ =	shalt  }
0x50: {  	_ =	shalt  }
0x51: {  	_ =	shalt  }
0x52: {  	_ =	shalt  }
0x53: {  	_ =	shalt  }
0x54: {  	_ =	shalt  }
0x55: {  	_ =	shalt  }
0x56: {  	_ =	shalt  }
0x57: {  	_ =	shalt  }
0x58: {  	_ =	shalt  }
0x59: {  	_ =	shalt  }
0x5a: {  	_ =	shalt  }
0x5b: {  	_ =	shalt  }
0x5c: {  	_ =	shalt  }
0x5d: {  	_ =	shalt  }
0x5e: {  	_ =	shalt  }
0x5f: {  	_ =	shalt  }
0x60: {  	_ =	shalt  }
0x61: {  	_ =	shalt  }
0x62: {  	_ =	shalt  }
0x63: {  	_ =	shalt  }
0x64: {  	_ =	shalt  }
0x65: {  	_ =	shalt  }
0x66: {  	_ =	shalt  }
0x67: {  	_ =	shalt  }
0x68: {  	_ =	shalt  }
0x69: {  	_ =	shalt  }
0x6a: {  	_ =	shalt  }
0x6b: {  	_ =	shalt  }
0x6c: {  	_ =	shalt  }
0x6d: {  	_ =	shalt  }
0x6e: {  	_ =	shalt  }
0x6f: {  	_ =	shalt  }
0x70: {  	_ =	shalt  }
0x71: {  	_ =	shalt  }
0x72: {  	_ =	shalt  }
0x73: {  	_ =	shalt  }
0x74: {  	_ =	shalt  }
0x75: {  	_ =	shalt  }
0x76: {  	_ =	shalt  }
0x77: {  	_ =	shalt  }
0x78: {  	_ =	shalt  }
0x79: {  	_ =	shalt  }
0x7a: {  	_ =	shalt  }
0x7b: {  	_ =	shalt  }
0x7c: {  	_ =	shalt  }
0x7d: {  	_ =	shalt  }
0x7e: {  	_ =	shalt  }
0x7f: {  	_ =	shalt  }
0x80: {  	_ =	shalt  }
0x81: {  	_ =	shalt  }
0x82: {  	_ =	shalt  }
0x83: {  	_ =	shalt  }
0x84: {  	_ =	shalt  }
0x85: {  	_ =	shalt  }
0x86: {  	_ =	shalt  }
0x87: {  	_ =	shalt  }
.Lfunc_end0:
.L_simem_size_0:
called_computation_lowered:
.L_overlay_start_0:
0x88: {  	s2 =	sld [smem:$0x3FD9]  }
0x89: {  	s3 =	sld [smem:$0x3FFE];
	_ =	sdelay $0x1  }
0x8a: {  	s1 =	srdreg.scid  }
0x8b: {  	s0 =	sand.u32 $0x1, s1  }
0x8c: {  	s17 =	sshll.u32 s0, $0xA;
	s2 =	sadd.s32 s3, s2  }
0x8d: {  	s2 =	sadd.s32 s2, s17  }
0x8e: {  	[smem:$0x3FB5] =	sst s2  }
0x8f: {  	_ = 	snop  }
0x90: {  	s2 =	sld [smem:$0x3FC8]  }
0x91: {  	s18 =	sld [smem:$0x3FC7];
	(tm) =	ssettm $0x1  }
0x92: {  	s4 =	sld [smem:$0x3FFB];
	_ =	sdelay $0x3  }
0x93: {  	_ =	strace s4  }
0x94: {  	s4 =	sld [smem:$0x3FFC];
	_ =	sdelay $0x3  }
0x95: {  	_ =	strace s4  }
0x96: {  	s4 =	sld [smem:$0x3FFD];
	_ =	sdelay $0x3  }
0x97: {  	_ =	strace s4  }
0x98: {  	_ =	strace $0x8FFFFFFF  }
0x99: {  	s19 =	sld [smem:$0x3FDB];
	_ =	sdelay $0x1  }
0x9a: {  	s5 =	simm.s32 $_scs_section_size  }
0x9b: {  	s6 =	simm.s32 $_size__tile_overlayer_lowered;
	s7 =	simm.s32 $_tile_overlayer_lowered  }
0x9c: {  	s22 =	simm.s32 $0x1BFF;
	s21 =	sshll.u32 s7, $0x1;
	s4 =	sadd.s32 s5, s19  }
0x9d: {  	s8 =	simm.s32 $0x0;
	s20 =	sshll.u32 s6, $0x1;
	s6 =	sadd.s32 s21, s4  }
0x9e: {  	[timem:s8], [sflag:s22] =	dma.local [hbm:s6], s20  }
0x9f: {  	_ =	swait.ge [sflag:s22], s20  }
0xa0: {  	s5 =	ssub.s32 $0x0, s20;
	[sflag:s22] =	ssyncset.done $0x0  }
0xa1: {  	[sflag:s22] =	ssyncadd.s32 s5;
	_ =	sdelay $0x1  }
0xa2: {  	s23 =	simm.s32 $0x1B8B  }
0xa3: {  	_ =	swait.ge [sflag:s23], $0x1  }
0xa4: {  	[sflag:s23] =	ssyncset.done $0x0  }
0xa5: {  	s25 =	simm.s32 $0x1B8E;
	s24 =	sld [smem:$0x3FFE];
	[sflag:s23] =	ssyncadd.s32 $0xFFFFFFFF  }
0xa6: {  	s26 =	simm.s32 $execute0_lowered;
	[smem:$0x3FD2] =	sst s25  }
0xa7: {  	s6 =	sshll.u32 s26, $0x1;
	_ =	strace $0x80000046;
	[dreg:$0x1] =	wrdreg $0xFFFFFFFF  }
0xa8: {  	s28 =	simm.s32 $_size_execute0_lowered;
	s4 =	sadd.s32 s4, s6;
	[dreg:$0x0] =	wrdreg $0x0  }
0xa9: {  	s6 =	sshll.u32 s28, $0x1;
	[dreg:$0x2] =	wrdreg s4  }
0xaa: {  	[dreg:$0x3] =	wrdreg s6  }
0xab: {  	[dreg:$0x4] =	wrdreg $0xC0  }
0xac: {  	_ =	task [dreg:s8], $0x5FFFF  }
0xad: {  	[dreg:$0x1] =	wrdreg $0xFFFFFFFF  }
0xae: {  	[dreg:$0x0] =	wrdreg $0x60  }
0xaf: {  	[dreg:$0x2] =	wrdreg s18  }
0xb0: {  	[dreg:$0x3] =	wrdreg s2  }
0xb1: {  	[dreg:$0x4] =	wrdreg s24  }
0xb2: {  	[dreg:$0x5] =	wrdreg $0x9  }
0xb3: {  	_ =	task.clear_ibuf [dreg:s8], $0x6FFFF;
	_ =	strace $0x90000046  }
0xb4: {  	s29 =	simm.s32 $0x9;
	_ =	strace $0x80000048  }
0xb5: {  	_ =	swait.ge [sflag:s29], $0x1  }
0xb6: {  	[sflag:s29] =	ssyncadd.s32 $0xFFFFFFFF  }
0xb7: {  	_ =	strace $0x90000048  }
0xb8: {  	_ =	sfence  }
0xb9: {  	s30 =	sld [smem:$0x0];
	_ =	sdelay $0x2  }
0xba: {  	s31 =	sshll.u32 s1, $0xD;
	s1 =	sshrl.u32 s1, $0x2  }
0xbb: {  	s3 =	sand.u32 $0x4000, s31;
	s1 =	sadd.s32 s1, s30  }
0xbc: {  	s0 =	sor.u32 s3, s0;
	s1 =	sshll.u32 s1, $0x11  }
0xbd: {  	s0 =	sor.u32 s1, s0  }
0xbe: {  	s0 =	sadd.s32 $0x8F2B, s0  }
0xbf: {  	[sflag:s0] =	ssyncadd.remote.s32 $0x1  }
0xc0: {  	_ =	sfence.sel $0xFFFF  }
0xc1: {  	[dreg:$0x0] =	wrdreg $0xFFFFFFFF;
	(pc) =	sbr.abs _section_cstart, $3  }
0xc2: {  	[dreg:$0x1] =	wrdreg $0xFFFFFFFF  }
0xc3: {  	_ =	task.clear_ibuf [dreg:s8], $0x2FFFF;
	_ =	strace $0x9FFFFFFF  }
0xc4: {  	(tm) =	ssettm $0x7FFFFFFF  }
0xc5: {  	_ =	shalt  }
tec
execute0_lowered:
.L_overlay_start_1:
0x0: {  	(tag) =	ssettag $0x1  }
0x1: {  	s7 =	rddreg [dreg:$0x0]  }
0x2: {  	s2 =	rddreg [dreg:$0x1];
	s0 =	srdreg.scid  }
0x3: {  	s4 =	rddreg [dreg:$0x2];
	s1 =	stileid.u32  }
0x4: {  	s3 =	simm.s32 $0x0;
	s14 =	simm.s32 $0x0;
	s5 =	sand.u32 $0x1, s0  }
0x5: {  	s0 =	rddreg [dreg:$0x3];
	s6 =	sshll.u32 s1, $0x8;
	s9 =	sshrl.u32 s1, $0x2  }
0x6: {  	[smem:$0x7FF] =	sst s3;
	s10 =	sshll.u32 s1, $0xA;
	s13 =	sshll.u32 s1, $0x5  }
0x7: {  	s8 =	sshll.u32 s5, $0x7;
	s30 =	sshll.u32 s9, $0xD;
	_ =	strace $0x80000047  }
0x8: {  	s11 =	ssub.s32 $0x2, s5;
	s10 =	sand.u32 $0x3000, s10;
	s9 =	smul.u32 $0xC3800, s9  }
0x9: {  	s5 =	sshll.u32 s5, $0x4;
	s6 =	sor.u32 s8, s6;
	s12 =	sshrl.u32 s11, $0x1  }
0xa: {  	s10 =	sadd.s32 s10, s4;
	s5 =	sor.u32 s5, s13;
	s13 =	simm.s32 $0x19700  }
0xb: {  	s6 =	sand.u32 $0x380, s6;
	s11 =	ssub.s32 s11, s12;
	s31 =	sand.u32 $0x70, s5  }
0xc: {  	s12 =	simm.s32 $0x1000;
	s8 =	sor.u32 s30, s6;
	s6 =	sor.u32 s6, s9  }
0xd: {  	s5 =	smax.u32 s11, $0x1;
	s8 =	sshrl.u32 s8, $0x3;
	s9 =	sshrl.u32 s6, $0x3  }
0xe: {  	s11 =	simm.s32 $0x1;
	s8 =	sadd.s32 s8, s4;
	s7 =	sadd.s32 s9, s7  }
0xf: {  	s9 =	simm.s32 $0x400;
	s4 =	sadd.s32 $0x2400, s8;
	s8 =	sadd.s32 s31, s10  }
0x10: {  	s10 =	simm.s32 $0x1A700;
	s6 =	sadd.s32 $0x3400, s8;
	s8 =	simm.s32 $0x80  }
.LBB2_1:
0x11: {  	[tilespmem:s10], [sflag:$0x1] =	stream.strided.gather [hbm4b:s4+s8], $0x400, s9, s8, $0x38;
	[tilespmem:$0x1AB00] =	vst v63  }
0x12: {  	s15 =	sand.u32 $0x70, s3;
	_ =	swait.ge [sflag:s11], $0x400  }
0x13: {  	s16 =	sand.u32 $0x3000, s3;
	s15 =	sadd.s32 s2, s15;
	[sflag:s11] =	ssyncset.done $0x0  }
0x14: {  	s15 =	sadd.s32 s16, s15;
	[sflag:s11] =	ssyncadd.s32 $0xFFFFFC00  }
0x15: {  	[tilespmem:s3], [sflag:$0x1] =	stream.strided.gather [hbm4b:s15+s8], $0x1000, s9, s8, $0x38;
	[tilespmem:$0x1AB00] =	vst v63  }
0x16: {  	_ =	swait.ge [sflag:s11], $0x1000  }
0x17: {  	[sflag:s11] =	ssyncset.done $0x0  }
0x18: {  	[sflag:s11] =	ssyncadd.s32 $0xFFFFF000  }
0x19: {  	[tilespmem:s12], [sflag:$0x1] =	stream.strided.gather [hbm4b:s7+s8], $0x18700, s9, s8, $0x38;
	[tilespmem:$0x1AB00] =	vst v63  }
0x1a: {  	_ =	swait.ge [sflag:s11], $0x18700  }
0x1b: {  	s19 =	simm.s32 $0x200;
	s17 =	simm.s32 $0x10;
	[sflag:s11] =	ssyncset.done $0x0  }
0x1c: {  	s18 =	simm.s32 $0x400;
	s20 =	sand.u32 $0x70, s17;
	[sflag:s11] =	ssyncadd.s32 $0xFFFE7900  }
0x1d: {  	[hbm4b:s6+s8] =	stream.strided.scatter [tilespmem:s13], [sflag:$0x1], $0x1000, s9, s8, $0x38;
	[tilespmem:$0x1AB00] =	vst v63  }
0x1e: {  	s19 =	sand.u32 $0x3000, s19;
	s16 =	sadd.s32 $0x4000, s6;
	_ =	swait.ge [sflag:s11], $0x1000  }
0x1f: {  	s20 =	sadd.s32 s2, s20;
	s15 =	sadd.s32 $0x61C00, s7;
	[sflag:s11] =	ssyncset.done $0x0  }
.LBB2_2:
0x20: {  	s19 =	sadd.s32 s19, s20  }
0x21: {  	[sflag:s11] =	ssyncadd.s32 $0xFFFFF000;
	s20 =	smov.u32 s18;
	s21 =	sadd.s32 $0x200, s18  }
0x22: {  	[tilespmem:s3], [sflag:$0x1] =	stream.strided.gather [hbm4b:s19+s8], $0x1000, s9, s8, $0x38;
	[tilespmem:$0x1AB00] =	vst v63  }
0x23: {  	p0 =	sne.s32 s18, $0x3200;
	_ =	swait.ge [sflag:s11], $0x1000  }
0x24: {  	[sflag:s11] =	ssyncset.done $0x0  }
0x25: {  	[sflag:s11] =	ssyncadd.s32 $0xFFFFF000  }
0x26: {  	[tilespmem:s12], [sflag:$0x1] =	stream.strided.gather [hbm4b:s15+s8], $0x18700, s9, s8, $0x38;
	[tilespmem:$0x1AB00] =	vst v63  }
0x27: {  	_ =	swait.ge [sflag:s11], $0x18700  }
.Ltmp0:
0x28: {  	s17 =	sadd.s32 $0x10, s17;
	[sflag:s11] =	ssyncset.done $0x0;
	(pc) =	sbr.rel @p0 .LBB2_2-.Ltmp0, $4  }
0x29: {  	s18 =	sand.u32 $0x70, s17;
	s15 =	sadd.s32 $0x61C00, s15;
	[sflag:s11] =	ssyncadd.s32 $0xFFFE7900  }
0x2a: {  	[hbm4b:s16+s8] =	stream.strided.scatter [tilespmem:s13], [sflag:$0x1], $0x1000, s9, s8, $0x38;
	[tilespmem:$0x1AB00] =	vst v63  }
0x2b: {  	s19 =	sand.u32 $0x3000, s20;
	s16 =	sadd.s32 $0x4000, s16;
	_ =	swait.ge [sflag:s11], $0x1000  }
0x2c: {  	s20 =	sadd.s32 s2, s18;
	s18 =	smov.u32 s21;
	[sflag:s11] =	ssyncset.done $0x0  }
0x2d: {  	s17 =	sadd.s32 s19, s20;
	[sflag:s11] =	ssyncadd.s32 $0xFFFFF000  }
0x2e: {  	[tilespmem:s3], [sflag:$0x1] =	stream.strided.gather [hbm4b:s17+s8], $0x1000, s9, s8, $0x38;
	[tilespmem:$0x1AB00] =	vst v63  }
0x2f: {  	_ =	swait.ge [sflag:s11], $0x1000  }
0x30: {  	[sflag:s11] =	ssyncset.done $0x0  }
0x31: {  	[sflag:s11] =	ssyncadd.s32 $0xFFFFF000  }
0x32: {  	[tilespmem:s12], [sflag:$0x1] =	stream.strided.gather [hbm4b:s15+s8], $0x18700, s9, s8, $0x38;
	[tilespmem:$0x1AB00] =	vst v63  }
0x33: {  	s14 =	sadd.s32 $0x1, s14;
	_ =	swait.ge [sflag:s11], $0x18700  }
0x34: {  	p0 =	sne.s32 s14, s5;
	[sflag:s11] =	ssyncset.done $0x0  }
.Ltmp1:
0x35: {  	[sflag:s11] =	ssyncadd.s32 $0xFFFE7900;
	(pc) =	sbr.rel @p0 .LBB2_1-.Ltmp1, $4  }
0x36: {  	[hbm4b:s16+s8] =	stream.strided.scatter [tilespmem:s13], [sflag:$0x1], $0x1000, s9, s8, $0x38;
	[tilespmem:$0x1AB00] =	vst v63  }
0x37: {  	_ =	swait.ge [sflag:s11], $0x1000  }
0x38: {  	[sflag:s11] =	ssyncset.done $0x0  }
0x39: {  	[sflag:s11] =	ssyncadd.s32 $0xFFFFF000  }
0x3a: {  	_ =	sfence.sel $0x180000  }
0x3b: {  	[bflag:$0x0] =	sbarrier.arrive $0xFFFF  }
0x3c: {  	p0 =	sne.s32 s1, $0x0;
	_ =	strace $0x90000047  }
0x3d: {  	s0 =	sadd.s32 @!p0 $0x100000, s0;
	[bflag:$0x2] =	sbarrier.arrive $0xFFFF  }
0x3e: {  	[sflag:s0] =	ssyncadd.tile.s32 @!p0 $0x1;
	_ =	shalt  }
.Lfunc_end2:
_tile_overlayer_lowered:
.L_overlay_start_2:
0x3f: {  	(tag) =	ssettag $0x2  }
0x40: {  	s0 =	rddreg [dreg:$0x0];
	s2 =	stileid.u32  }
0x41: {  	s1 =	rddreg [dreg:$0x1];
	p0 =	sne.s32 s2, $0x0  }
0x42: {  	s3 =	rddreg [dreg:$0x2];
	[bflag:$0x3] =	sbarrier.arrive $0xFFFF;
	s2 =	simm.s32 @!p0 $0x1C01  }
0x43: {  	[timem:s3], [sflag:s2] =	dma.local @!p0 [hbm:s0], s1  }
0x44: {  	s0 =	simm.s32 @!p0 $0x1  }
0x45: {  	_ =	swait.ge @!p0 [sflag:s0], s1  }
0x46: {  	s1 =	ssub.s32 @!p0 $0x0, s1;
	[sflag:s0] =	ssyncset.done @!p0 $0x0  }
0x47: {  	[sflag:s0] =	ssyncadd.s32 @!p0 s1  }
0x48: {  	[bflag:$0x3] =	sbarrier.arrive $0xFFFF  }
0x49: {  	_ =	shalt  }

</sc_bundles>
